<compile_context>
chip_gen: v7x
topology: tpu7x:2x2x1
jax: 0.10.2.dev20260603
libtpu: 0.0.44.dev20260713+nightly
codegen_flags: <defaults>
</compile_context>

<pallas_src>
import functools

import jax
import jax.numpy as jnp
from jax import lax
from jax.experimental import pallas as pl
from jax.experimental.pallas import tpu as pltpu
from jax.experimental.pallas import tpu_sc as plsc

T, D, DFF, E, K = 2048, 1024, 2048, 8, 2
BM = 256
NB = T * K // BM + E
S = NB * BM
CHUNK = 128
NCHUNK = T // CHUNK
NBE = 32


def _route_body(x_ref, gw_ref, gb_ref, vals_ref, dest_ref, be_ref,
                rix_ref, pn_ref, pn2_ref, R_s, O0_s, O1_s):
    ltri = (lax.broadcasted_iota(jnp.int32, (CHUNK, CHUNK), 0) >
            lax.broadcasted_iota(jnp.int32, (CHUNK, CHUNK), 1)
            ).astype(jnp.float32)
    e_iota = lax.broadcasted_iota(jnp.int32, (CHUNK, E), 1)

    def pass1(i, carry):
        xc = x_ref[pl.ds(i * CHUNK, CHUNK), :]
        logits = jnp.dot(xc, gw_ref[:, :],
                         preferred_element_type=jnp.float32) + gb_ref[0, :]
        m = jnp.max(logits, axis=1, keepdims=True)
        p = jnp.exp(logits - m)
        p = p / jnp.sum(p, axis=1, keepdims=True)
        mx0 = jnp.max(p, axis=1, keepdims=True)
        a0 = jnp.min(jnp.where(p == mx0, e_iota, E), axis=1)
        o0 = (e_iota == a0[:, None]).astype(jnp.float32)
        v0 = jnp.sum(p * o0, axis=1, keepdims=True)
        pm = jnp.where(o0 > 0, -jnp.inf, p)
        mx1 = jnp.max(pm, axis=1, keepdims=True)
        a1 = jnp.min(jnp.where(pm == mx1, e_iota, E), axis=1)
        o1 = (e_iota == a1[:, None]).astype(jnp.float32)
        v1 = jnp.sum(p * o1, axis=1, keepdims=True)
        vals_ref[pl.ds(i * CHUNK, CHUNK), :] = jnp.concatenate([v0, v1], 1)
        osum = o0 + o1
        R_s[pl.ds(i * CHUNK, CHUNK), :] = jnp.dot(
            ltri, osum, preferred_element_type=jnp.float32) + carry
        O0_s[pl.ds(i * CHUNK, CHUNK), :] = o0
        O1_s[pl.ds(i * CHUNK, CHUNK), :] = o1
        return carry + jnp.sum(osum, axis=0, keepdims=True)

    counts = lax.fori_loop(0, NCHUNK, pass1, jnp.zeros((1, E), jnp.float32))
    pc = jnp.floor((counts + (BM - 1)) * (1.0 / BM)) * BM
    mtri = (lax.broadcasted_iota(jnp.int32, (E, E), 0) <
            lax.broadcasted_iota(jnp.int32, (E, E), 1)).astype(jnp.float32)
    po = jnp.dot(pc, mtri, preferred_element_type=jnp.float32)
    sb = (po * (1.0 / BM)).astype(jnp.int32)
    b_iota = lax.broadcasted_iota(jnp.int32, (NBE, E), 0)
    be_ref[:] = jnp.sum((b_iota >= sb).astype(jnp.int32), axis=1) - 1
    ne = (counts > 0.0).astype(jnp.int32)
    rix_ref[:] = jnp.sum(((b_iota >= sb) * ne), axis=1) - 1
    big = NBE + 1
    cand = jnp.where((sb > b_iota) & (ne > 0), sb, big)
    nxt = jnp.min(cand, axis=1, keepdims=True)
    pnv = jnp.sum((nxt >= sb).astype(jnp.int32), axis=1, keepdims=True) - 1
    pn_ref[:] = jnp.where(nxt < big, pnv, -1)[:, 0]
    cand2 = jnp.where((sb > nxt) & (ne > 0), sb, big)
    nxt2 = jnp.min(cand2, axis=1, keepdims=True)
    pnv2 = jnp.sum((nxt2 >= sb).astype(jnp.int32), axis=1, keepdims=True) - 1
    pn2_ref[:] = jnp.where(nxt2 < big, pnv2, -1)[:, 0]

    def pass2(i, _):
        sl = pl.ds(i * CHUNK, CHUNK)
        r, o0, o1 = R_s[sl, :], O0_s[sl, :], O1_s[sl, :]
        d0 = jnp.sum(o0 * (po + r), axis=1, keepdims=True)
        d1 = jnp.sum(o1 * (po + r + o0), axis=1, keepdims=True)
        dest_ref[sl, :] = jnp.concatenate([d0, d1], 1).astype(jnp.int32)
        return 0

    lax.fori_loop(0, NCHUNK, pass2, 0)


_route = pl.pallas_call(
    _route_body,
    out_shape=(
        jax.ShapeDtypeStruct((T, K), jnp.float32),
        jax.ShapeDtypeStruct((T, K), jnp.int32),
        jax.ShapeDtypeStruct((NBE,), jnp.int32),
        jax.ShapeDtypeStruct((NBE,), jnp.int32),
        jax.ShapeDtypeStruct((NBE,), jnp.int32),
        jax.ShapeDtypeStruct((NBE,), jnp.int32),
    ),
    scratch_shapes=[
        pltpu.VMEM((T, E), jnp.float32),
        pltpu.VMEM((T, E), jnp.float32),
        pltpu.VMEM((T, E), jnp.float32),
    ],
)


_NW = 32


@functools.cache
def _sc_mesh():
    return plsc.VectorSubcoreMesh(core_axis_name="c", subcore_axis_name="s")


@functools.cache
def _make_scatter_src():
    @functools.partial(
        pl.kernel,
        out_type=jax.ShapeDtypeStruct((S,), jnp.int32),
        mesh=_sc_mesh(),
        scratch_types=[
            pltpu.VMEM((T * K,), jnp.int32),
            pltpu.VMEM((S,), jnp.int32),
        ],
        compiler_params=pltpu.CompilerParams(needs_layout_passes=False),
    )
    def _scatter_src(dest_hbm, src_hbm, dest_v, src_v):
        wid = lax.axis_index("s") * 2 + lax.axis_index("c")

        @pl.when(wid == 0)
        def _():
            pltpu.sync_copy(dest_hbm, dest_v)
            lane = lax.iota(jnp.int32, 16)

            def initb(i, _):
                src_v[pl.ds(i * 16, 16)] = (i * 16 + lane) & (T - 1)
                return 0

            lax.fori_loop(0, S // 16, initb, 0)

            def scat(i, _):
                idx = dest_v[pl.ds(i * 16, 16)]
                tok = (i * 16 + lane) & (T - 1)
                plsc.store_scatter(src_v, [idx], tok)
                return 0

            lax.fori_loop(0, T * K // 16, scat, 0)
            pltpu.sync_copy(src_v, src_hbm)

    return _scatter_src



@functools.cache
def _make_gather(n_rows):
    b_per_w = n_rows // _NW
    gchunk = 64
    nch = b_per_w // gchunk

    @functools.partial(
        pl.kernel,
        out_type=jax.ShapeDtypeStruct((n_rows, D), jnp.float32),
        mesh=_sc_mesh(),
        scratch_types=[
            pltpu.VMEM((b_per_w,), jnp.int32),
            pltpu.VMEM((gchunk, D), jnp.float32),
            pltpu.SemaphoreType.DMA,
        ],
        compiler_params=pltpu.CompilerParams(needs_layout_passes=False),
    )
    def _gather(table_hbm, idx_hbm, out_hbm, idx_v, rows_v, sem):
        wid = lax.axis_index("s") * 2 + lax.axis_index("c")
        base = wid * b_per_w
        pltpu.sync_copy(idx_hbm.at[pl.ds(base, b_per_w)], idx_v)
        for c in range(nch):
            pltpu.async_copy(
                table_hbm.at[idx_v.at[pl.ds(c * gchunk, gchunk)]],
                rows_v, sem).wait()
            pltpu.sync_copy(
                rows_v, out_hbm.at[pl.ds(base + c * gchunk, gchunk)])

    return _gather


def _ffn_body(be_ref, rix_ref, pn_ref, pn2_ref, xs_ref, b1_ref, b2_ref,
              w1_hbm, w2_hbm, y_ref, w1buf, w2buf, sems):
    b = pl.program_id(0)
    cur = be_ref[b]
    prev = be_ref[jnp.maximum(b - 1, 0)]
    chg = jnp.logical_or(b == 0, cur != prev)
    slot = lax.rem(rix_ref[b], 2)
    pn = pn_ref[b]

    def _pair_copies(eidx, sl):
        h1, h2 = D // 2, DFF // 2
        return [
            pltpu.make_async_copy(
                w1_hbm.at[pl.ds(eidx, 1), pl.ds(0, h1)],
                w1buf.at[pl.ds(sl, 1), pl.ds(0, h1)], sems.at[sl]),
            pltpu.make_async_copy(
                w1_hbm.at[pl.ds(eidx, 1), pl.ds(h1, h1)],
                w1buf.at[pl.ds(sl, 1), pl.ds(h1, h1)], sems.at[sl]),
            pltpu.make_async_copy(
                w2_hbm.at[pl.ds(eidx, 1), pl.ds(0, h2)],
                w2buf.at[pl.ds(sl, 1), pl.ds(0, h2)], sems.at[sl]),
            pltpu.make_async_copy(
                w2_hbm.at[pl.ds(eidx, 1), pl.ds(h2, h2)],
                w2buf.at[pl.ds(sl, 1), pl.ds(h2, h2)], sems.at[sl]),
        ]

    def start_pair(eidx, sl):
        for cp in _pair_copies(eidx, sl):
            cp.start()

    @pl.when(b == 0)
    def _():
        start_pair(cur, 0)

        @pl.when(pn >= 0)
        def _():
            start_pair(pn, 1)

    @pl.when((b > 0) & chg & (pn >= 0))
    def _():
        start_pair(pn, 1 - slot)

    @pl.when(chg)
    def _():
        for cp in _pair_copies(cur, slot):
            cp.wait()

    h = jnp.maximum(
        jnp.dot(xs_ref[:, :], w1buf[slot],
                preferred_element_type=jnp.float32) + b1_ref[0, 0, :], 0.0)
    y_ref[:, :] = jnp.dot(
        h, w2buf[slot], preferred_element_type=jnp.float32) + b2_ref[0, 0, :]


_ffn = pl.pallas_call(
    _ffn_body,
    grid_spec=pltpu.PrefetchScalarGridSpec(
        num_scalar_prefetch=4,
        grid=(NB,),
        in_specs=[
            pl.BlockSpec((BM, D), lambda b, *_: (b, 0)),
            pl.BlockSpec((1, 1, DFF), lambda b, be, *_: (be[b], 0, 0)),
            pl.BlockSpec((1, 1, D), lambda b, be, *_: (be[b], 0, 0)),
            pl.BlockSpec(memory_space=pl.ANY),
            pl.BlockSpec(memory_space=pl.ANY),
        ],
        out_specs=pl.BlockSpec((BM, D), lambda b, *_: (b, 0)),
        scratch_shapes=[
            pltpu.VMEM((2, D, DFF), jnp.float32),
            pltpu.VMEM((2, DFF, D), jnp.float32),
            pltpu.SemaphoreType.DMA((2,)),
        ],
    ),
    out_shape=jax.ShapeDtypeStruct((S, D), jnp.float32),
    compiler_params=pltpu.CompilerParams(vmem_limit_bytes=64 * 1024 * 1024),
)


def _combine_body(x_ref, c0_ref, c1_ref, vals_ref, g_ref, b_ref, out_ref):
    v0 = vals_ref[:, 0:1]
    v1 = vals_ref[:, 1:2]
    o = x_ref[:, :] + v0 * c0_ref[:, :] + v1 * c1_ref[:, :]
    mu = jnp.mean(o, axis=1, keepdims=True)
    ctr = o - mu
    var = jnp.mean(ctr * ctr, axis=1, keepdims=True)
    out_ref[:, :] = ctr * lax.rsqrt(var + 1e-5) * g_ref[0, :] + b_ref[0, :]


_combine = pl.pallas_call(
    _combine_body,
    grid=(T // BM,),
    in_specs=[
        pl.BlockSpec((BM, D), lambda b: (b, 0)),
        pl.BlockSpec((BM, D), lambda b: (b, 0)),
        pl.BlockSpec((BM, D), lambda b: (b + T // BM, 0)),
        pl.BlockSpec((BM, K), lambda b: (b, 0)),
        pl.BlockSpec((1, D), lambda b: (0, 0)),
        pl.BlockSpec((1, D), lambda b: (0, 0)),
    ],
    out_specs=pl.BlockSpec((BM, D), lambda b: (b, 0)),
    out_shape=jax.ShapeDtypeStruct((T, D), jnp.float32),
)


def kernel(x, gate_w, gate_b, w1, b1, w2, b2, ln_g, ln_b):
    vals, dest, be, rix, pn, pn2 = _route(x, gate_w, gate_b.reshape(1, E))
    destf = dest.T.reshape(T * K)
    src = _make_scatter_src()(destf)
    xs = _make_gather(S)(x, src)
    y = _ffn(be, rix, pn, pn2, xs, b1.reshape(E, 1, DFF), b2.reshape(E, 1, D),
             w1, w2)
    contrib = _make_gather(T * K)(y, destf)
    return _combine(x, contrib, contrib, vals,
                    ln_g.reshape(1, D), ln_b.reshape(1, D))

# --- scband reference (transcript-rebuilt; emitter-appended) ---
"""Pipeline reference for scband-expert-layer-16887811408015 (READ-ONLY COPY).

The authoritative reference and input builder live on the scoring server;
editing this copy changes nothing except your own understanding.
"""

import jax, jax.numpy as jnp
import numpy as np

D = 1024
DFF = 2048
E = 8
K = 2
T = 2048

def setup_inputs(seed: int = 0) -> dict:
    key = jax.random.key(seed)
    ks = jax.random.split(key, 8)
    inp = {
        "x": jax.random.normal(ks[0], (T, D), dtype=jnp.float32),
        "gate_w": jax.random.normal(ks[1], (D, E), dtype=jnp.float32) * (1.0 / np.sqrt(D)),
        "gate_b": jnp.zeros((E,), dtype=jnp.float32),
        "w1": jax.random.normal(ks[2], (E, D, DFF), dtype=jnp.float32) * (1.0 / np.sqrt(D)),
        "b1": jnp.zeros((E, DFF), dtype=jnp.float32),
        "w2": jax.random.normal(ks[3], (E, DFF, D), dtype=jnp.float32) * (1.0 / np.sqrt(DFF)),
        "b2": jnp.zeros((E, D), dtype=jnp.float32),
        "ln_g": jnp.ones((D,), dtype=jnp.float32),
        "ln_b": jnp.zeros((D,), dtype=jnp.float32),
    }
    return inp

def reference(x, gate_w, gate_b, w1, b1, w2, b2, ln_g, ln_b):
    # GatingFuncTopK
    logits = x @ gate_w + gate_b                      # [T, E]
    routing_weights = jax.nn.softmax(logits, axis=-1)
    topk_vals, topk_idx = jax.lax.top_k(routing_weights, K)
    row_idx = jnp.arange(x.shape[0])[:, None]
    sparse_rw = jnp.zeros_like(logits).at[row_idx, topk_idx].set(topk_vals)  # [T, E]
    # All experts run densely: ExpertFFN per expert, stacked on last dim
    h = jax.nn.relu(jnp.einsum('td,edf->etf', x, w1) + b1[:, None, :])       # [E, T, DFF]
    expert_out = jnp.einsum('etf,efd->etd', h, w2) + b2[:, None, :]          # [E, T, D]
    # combine: (sparse_rw.unsqueeze(2) * expert_outputs).sum(dim=-1)
    out = jnp.einsum('te,etd->td', sparse_rw, expert_out)                    # [T, D]
    out = out + x
    # LayerNorm
    mu = jnp.mean(out, axis=-1, keepdims=True)
    var = jnp.var(out, axis=-1, keepdims=True)
    out = (out - mu) / jnp.sqrt(var + 1e-5) * ln_g + ln_b
    return out

if __name__ == "__main__":
    import jax
    _d = setup_inputs()
    print(jax.jit(kernel)(*tuple(_d.values())))

</pallas_src>

<mosaic_0001>
#map = affine_map<(d0, d1) -> (0, 0)>
#map1 = affine_map<(d0, d1) -> (0)>
module attributes {stable_mosaic.version = 14 : i64} {
  func.func @_gather(%arg0: i32, %arg1: i32, %arg2: memref<2048x1024xf32, #tpu.memory_space<hbm>>, %arg3: memref<6144xi32, #tpu.memory_space<hbm>>, %arg4: memref<6144x1024xf32, #tpu.memory_space<hbm>>, %arg5: memref<192xi32, #tpu.memory_space<vmem>>, %arg6: memref<64x1024xf32, #tpu.memory_space<vmem>>, %arg7: memref<!tpu.dma_semaphore, #tpu.memory_space<semaphore_mem>>) attributes {dimension_semantics = [#tpu.dimension_semantics<core_parallel>, #tpu.dimension_semantics<subcore_parallel>], iteration_bounds = array<i64: 2, 16>, scalar_prefetch = 0 : i64, scratch_operands = 3 : i64, tpu.core_type = #tpu.core_type<sc_vector_subcore>, window_params = [{transform_indices = #map}, {transform_indices = #map1}, {transform_indices = #map}]} {
    %mul3A = arith.constant 2 : i32
    %mul3A_0 = arith.muli %arg1, %mul3A : i32
    %add3A = arith.addi %mul3A_0, %arg0 : i32
    %mul3A_1 = arith.constant 192 : i32
    %mul3A_2 = arith.muli %add3A, %mul3A_1 : i32
    "tpu.region"() ({
      %run_scoped3A = tpu.sem_alloc : memref<!tpu.dma_semaphore, #tpu.memory_space<semaphore_mem>>
      %dma_start3A_37 = tpu.memref_slice %arg3[%mul3A_2] : memref<6144xi32, #tpu.memory_space<hbm>> -> memref<192xi32, #tpu.memory_space<hbm>>
      %dma_start3A_38 = tpu.memref_slice %arg3[%mul3A_2] : memref<6144xi32, #tpu.memory_space<hbm>> -> memref<192xi32, #tpu.memory_space<hbm>>
      tpu.enqueue_dma source(%dma_start3A_38 : memref<192xi32, #tpu.memory_space<hbm>>) target(%arg5 : memref<192xi32, #tpu.memory_space<vmem>>) target_semaphore(%run_scoped3A : memref<!tpu.dma_semaphore, #tpu.memory_space<semaphore_mem>>)
      %dma_wait3A_39 = tpu.memref_slice %arg3[%mul3A_2] : memref<6144xi32, #tpu.memory_space<hbm>> -> memref<192xi32, #tpu.memory_space<hbm>>
      %dma_wait3A_40 = tpu.memref_slice %arg3[%mul3A_2] : memref<6144xi32, #tpu.memory_space<hbm>> -> memref<192xi32, #tpu.memory_space<hbm>>
      tpu.wait_dma2 semaphore(%run_scoped3A : memref<!tpu.dma_semaphore, #tpu.memory_space<semaphore_mem>>) src(%dma_wait3A_40 : memref<192xi32, #tpu.memory_space<hbm>>) dst(%arg5 : memref<192xi32, #tpu.memory_space<vmem>>)
      tpu.yield
    }) : () -> ()
    %dma_start3A = arith.constant 0 : i32
    %dma_start3A_3 = tpu.memref_slice %arg5[%dma_start3A] : memref<192xi32, #tpu.memory_space<vmem>> -> memref<64xi32, #tpu.memory_space<vmem>>
    %dma_start3A_4 = arith.constant 0 : i32
    %dma_start3A_5 = arith.constant 0 : i32
    %dma_start3A_6 = tpu.memref_slice %arg2[%dma_start3A_4, %dma_start3A_5] : memref<2048x1024xf32, #tpu.memory_space<hbm>> -> memref<2048x1024xf32, #tpu.memory_space<hbm>>
    tpu.enqueue_indirect_dma source(%dma_start3A_6 : memref<2048x1024xf32, #tpu.memory_space<hbm>>) target(%arg6 : memref<64x1024xf32, #tpu.memory_space<vmem>>) offsets(%dma_start3A_3 : memref<64xi32, #tpu.memory_space<vmem>>) semaphore(%arg7 : memref<!tpu.dma_semaphore, #tpu.memory_space<semaphore_mem>>)
    %dma_wait3A = arith.constant 0 : i32
    %dma_wait3A_7 = tpu.memref_slice %arg5[%dma_wait3A] : memref<192xi32, #tpu.memory_space<vmem>> -> memref<64xi32, #tpu.memory_space<vmem>>
    %dma_wait3A_8 = arith.constant 0 : i32
    %dma_wait3A_9 = arith.constant 0 : i32
    %dma_wait3A_10 = tpu.memref_slice %arg2[%dma_wait3A_8, %dma_wait3A_9] : memref<2048x1024xf32, #tpu.memory_space<hbm>> -> memref<2048x1024xf32, #tpu.memory_space<hbm>>
    tpu.wait_indirect_dma semaphore(%arg7 : memref<!tpu.dma_semaphore, #tpu.memory_space<semaphore_mem>>) src(%dma_wait3A_10 : memref<2048x1024xf32, #tpu.memory_space<hbm>>) dst(%arg6 : memref<64x1024xf32, #tpu.memory_space<vmem>>)
    %add3A_11 = arith.constant 0 : i32
    %add3A_12 = arith.addi %mul3A_2, %add3A_11 : i32
    "tpu.region"() ({
      %run_scoped3A = tpu.sem_alloc : memref<!tpu.dma_semaphore, #tpu.memory_space<semaphore_mem>>
      %dma_start3A_37 = arith.constant 0 : i32
      %dma_start3A_38 = tpu.memref_slice %arg4[%add3A_12, %dma_start3A_37] : memref<6144x1024xf32, #tpu.memory_space<hbm>> -> memref<64x1024xf32, #tpu.memory_space<hbm>>
      %dma_start3A_39 = arith.constant 0 : i32
      %dma_start3A_40 = tpu.memref_slice %arg4[%add3A_12, %dma_start3A_39] : memref<6144x1024xf32, #tpu.memory_space<hbm>> -> memref<64x1024xf32, #tpu.memory_space<hbm>>
      tpu.enqueue_dma source(%arg6 : memref<64x1024xf32, #tpu.memory_space<vmem>>) target(%dma_start3A_40 : memref<64x1024xf32, #tpu.memory_space<hbm>>) target_semaphore(%run_scoped3A : memref<!tpu.dma_semaphore, #tpu.memory_space<semaphore_mem>>)
      %dma_wait3A_41 = arith.constant 0 : i32
      %dma_wait3A_42 = tpu.memref_slice %arg4[%add3A_12, %dma_wait3A_41] : memref<6144x1024xf32, #tpu.memory_space<hbm>> -> memref<64x1024xf32, #tpu.memory_space<hbm>>
      %dma_wait3A_43 = arith.constant 0 : i32
      %dma_wait3A_44 = tpu.memref_slice %arg4[%add3A_12, %dma_wait3A_43] : memref<6144x1024xf32, #tpu.memory_space<hbm>> -> memref<64x1024xf32, #tpu.memory_space<hbm>>
      tpu.wait_dma2 semaphore(%run_scoped3A : memref<!tpu.dma_semaphore, #tpu.memory_space<semaphore_mem>>) src(%arg6 : memref<64x1024xf32, #tpu.memory_space<vmem>>) dst(%dma_wait3A_44 : memref<64x1024xf32, #tpu.memory_space<hbm>>)
      tpu.yield
    }) : () -> ()
    %dma_start3A_13 = arith.constant 64 : i32
    %dma_start3A_14 = tpu.memref_slice %arg5[%dma_start3A_13] : memref<192xi32, #tpu.memory_space<vmem>> -> memref<64xi32, #tpu.memory_space<vmem>>
    %dma_start3A_15 = arith.constant 0 : i32
    %dma_start3A_16 = arith.constant 0 : i32
    %dma_start3A_17 = tpu.memref_slice %arg2[%dma_start3A_15, %dma_start3A_16] : memref<2048x1024xf32, #tpu.memory_space<hbm>> -> memref<2048x1024xf32, #tpu.memory_space<hbm>>
    tpu.enqueue_indirect_dma source(%dma_start3A_17 : memref<2048x1024xf32, #tpu.memory_space<hbm>>) target(%arg6 : memref<64x1024xf32, #tpu.memory_space<vmem>>) offsets(%dma_start3A_14 : memref<64xi32, #tpu.memory_space<vmem>>) semaphore(%arg7 : memref<!tpu.dma_semaphore, #tpu.memory_space<semaphore_mem>>)
    %dma_wait3A_18 = arith.constant 64 : i32
    %dma_wait3A_19 = tpu.memref_slice %arg5[%dma_wait3A_18] : memref<192xi32, #tpu.memory_space<vmem>> -> memref<64xi32, #tpu.memory_space<vmem>>
    %dma_wait3A_20 = arith.constant 0 : i32
    %dma_wait3A_21 = arith.constant 0 : i32
    %dma_wait3A_22 = tpu.memref_slice %arg2[%dma_wait3A_20, %dma_wait3A_21] : memref<2048x1024xf32, #tpu.memory_space<hbm>> -> memref<2048x1024xf32, #tpu.memory_space<hbm>>
    tpu.wait_indirect_dma semaphore(%arg7 : memref<!tpu.dma_semaphore, #tpu.memory_space<semaphore_mem>>) src(%dma_wait3A_22 : memref<2048x1024xf32, #tpu.memory_space<hbm>>) dst(%arg6 : memref<64x1024xf32, #tpu.memory_space<vmem>>)
    %add3A_23 = arith.constant 64 : i32
    %add3A_24 = arith.addi %mul3A_2, %add3A_23 : i32
    "tpu.region"() ({
      %run_scoped3A = tpu.sem_alloc : memref<!tpu.dma_semaphore, #tpu.memory_space<semaphore_mem>>
      %dma_start3A_37 = arith.constant 0 : i32
      %dma_start3A_38 = tpu.memref_slice %arg4[%add3A_24, %dma_start3A_37] : memref<6144x1024xf32, #tpu.memory_space<hbm>> -> memref<64x1024xf32, #tpu.memory_space<hbm>>
      %dma_start3A_39 = arith.constant 0 : i32
      %dma_start3A_40 = tpu.memref_slice %arg4[%add3A_24, %dma_start3A_39] : memref<6144x1024xf32, #tpu.memory_space<hbm>> -> memref<64x1024xf32, #tpu.memory_space<hbm>>
      tpu.enqueue_dma source(%arg6 : memref<64x1024xf32, #tpu.memory_space<vmem>>) target(%dma_start3A_40 : memref<64x1024xf32, #tpu.memory_space<hbm>>) target_semaphore(%run_scoped3A : memref<!tpu.dma_semaphore, #tpu.memory_space<semaphore_mem>>)
      %dma_wait3A_41 = arith.constant 0 : i32
      %dma_wait3A_42 = tpu.memref_slice %arg4[%add3A_24, %dma_wait3A_41] : memref<6144x1024xf32, #tpu.memory_space<hbm>> -> memref<64x1024xf32, #tpu.memory_space<hbm>>
      %dma_wait3A_43 = arith.constant 0 : i32
      %dma_wait3A_44 = tpu.memref_slice %arg4[%add3A_24, %dma_wait3A_43] : memref<6144x1024xf32, #tpu.memory_space<hbm>> -> memref<64x1024xf32, #tpu.memory_space<hbm>>
      tpu.wait_dma2 semaphore(%run_scoped3A : memref<!tpu.dma_semaphore, #tpu.memory_space<semaphore_mem>>) src(%arg6 : memref<64x1024xf32, #tpu.memory_space<vmem>>) dst(%dma_wait3A_44 : memref<64x1024xf32, #tpu.memory_space<hbm>>)
      tpu.yield
    }) : () -> ()
    %dma_start3A_25 = arith.constant 128 : i32
    %dma_start3A_26 = tpu.memref_slice %arg5[%dma_start3A_25] : memref<192xi32, #tpu.memory_space<vmem>> -> memref<64xi32, #tpu.memory_space<vmem>>
    %dma_start3A_27 = arith.constant 0 : i32
    %dma_start3A_28 = arith.constant 0 : i32
    %dma_start3A_29 = tpu.memref_slice %arg2[%dma_start3A_27, %dma_start3A_28] : memref<2048x1024xf32, #tpu.memory_space<hbm>> -> memref<2048x1024xf32, #tpu.memory_space<hbm>>
    tpu.enqueue_indirect_dma source(%dma_start3A_29 : memref<2048x1024xf32, #tpu.memory_space<hbm>>) target(%arg6 : memref<64x1024xf32, #tpu.memory_space<vmem>>) offsets(%dma_start3A_26 : memref<64xi32, #tpu.memory_space<vmem>>) semaphore(%arg7 : memref<!tpu.dma_semaphore, #tpu.memory_space<semaphore_mem>>)
    %dma_wait3A_30 = arith.constant 128 : i32
    %dma_wait3A_31 = tpu.memref_slice %arg5[%dma_wait3A_30] : memref<192xi32, #tpu.memory_space<vmem>> -> memref<64xi32, #tpu.memory_space<vmem>>
    %dma_wait3A_32 = arith.constant 0 : i32
    %dma_wait3A_33 = arith.constant 0 : i32
    %dma_wait3A_34 = tpu.memref_slice %arg2[%dma_wait3A_32, %dma_wait3A_33] : memref<2048x1024xf32, #tpu.memory_space<hbm>> -> memref<2048x1024xf32, #tpu.memory_space<hbm>>
    tpu.wait_indirect_dma semaphore(%arg7 : memref<!tpu.dma_semaphore, #tpu.memory_space<semaphore_mem>>) src(%dma_wait3A_34 : memref<2048x1024xf32, #tpu.memory_space<hbm>>) dst(%arg6 : memref<64x1024xf32, #tpu.memory_space<vmem>>)
    %add3A_35 = arith.constant 128 : i32
    %add3A_36 = arith.addi %mul3A_2, %add3A_35 : i32
    "tpu.region"() ({
      %run_scoped3A = tpu.sem_alloc : memref<!tpu.dma_semaphore, #tpu.memory_space<semaphore_mem>>
      %dma_start3A_37 = arith.constant 0 : i32
      %dma_start3A_38 = tpu.memref_slice %arg4[%add3A_36, %dma_start3A_37] : memref<6144x1024xf32, #tpu.memory_space<hbm>> -> memref<64x1024xf32, #tpu.memory_space<hbm>>
      %dma_start3A_39 = arith.constant 0 : i32
      %dma_start3A_40 = tpu.memref_slice %arg4[%add3A_36, %dma_start3A_39] : memref<6144x1024xf32, #tpu.memory_space<hbm>> -> memref<64x1024xf32, #tpu.memory_space<hbm>>
      tpu.enqueue_dma source(%arg6 : memref<64x1024xf32, #tpu.memory_space<vmem>>) target(%dma_start3A_40 : memref<64x1024xf32, #tpu.memory_space<hbm>>) target_semaphore(%run_scoped3A : memref<!tpu.dma_semaphore, #tpu.memory_space<semaphore_mem>>)
      %dma_wait3A_41 = arith.constant 0 : i32
      %dma_wait3A_42 = tpu.memref_slice %arg4[%add3A_36, %dma_wait3A_41] : memref<6144x1024xf32, #tpu.memory_space<hbm>> -> memref<64x1024xf32, #tpu.memory_space<hbm>>
      %dma_wait3A_43 = arith.constant 0 : i32
      %dma_wait3A_44 = tpu.memref_slice %arg4[%add3A_36, %dma_wait3A_43] : memref<6144x1024xf32, #tpu.memory_space<hbm>> -> memref<64x1024xf32, #tpu.memory_space<hbm>>
      tpu.wait_dma2 semaphore(%run_scoped3A : memref<!tpu.dma_semaphore, #tpu.memory_space<semaphore_mem>>) src(%arg6 : memref<64x1024xf32, #tpu.memory_space<vmem>>) dst(%dma_wait3A_44 : memref<64x1024xf32, #tpu.memory_space<hbm>>)
      tpu.yield
    }) : () -> ()
    return
  }
}

#map = affine_map<(d0, d1) -> (0, 0)>
#map1 = affine_map<(d0, d1) -> (0)>
module attributes {stable_mosaic.version = 14 : i64} {
  func.func @_gather(%arg0: i32, %arg1: i32, %arg2: memref<6144x1024xf32, #tpu.memory_space<hbm>>, %arg3: memref<4096xi32, #tpu.memory_space<hbm>>, %arg4: memref<4096x1024xf32, #tpu.memory_space<hbm>>, %arg5: memref<128xi32, #tpu.memory_space<vmem>>, %arg6: memref<64x1024xf32, #tpu.memory_space<vmem>>, %arg7: memref<!tpu.dma_semaphore, #tpu.memory_space<semaphore_mem>>) attributes {dimension_semantics = [#tpu.dimension_semantics<core_parallel>, #tpu.dimension_semantics<subcore_parallel>], iteration_bounds = array<i64: 2, 16>, scalar_prefetch = 0 : i64, scratch_operands = 3 : i64, tpu.core_type = #tpu.core_type<sc_vector_subcore>, window_params = [{transform_indices = #map}, {transform_indices = #map1}, {transform_indices = #map}]} {
    %mul3A = arith.constant 2 : i32
    %mul3A_0 = arith.muli %arg1, %mul3A : i32
    %add3A = arith.addi %mul3A_0, %arg0 : i32
    %mul3A_1 = arith.constant 128 : i32
    %mul3A_2 = arith.muli %add3A, %mul3A_1 : i32
    "tpu.region"() ({
      %run_scoped3A = tpu.sem_alloc : memref<!tpu.dma_semaphore, #tpu.memory_space<semaphore_mem>>
      %dma_start3A_25 = tpu.memref_slice %arg3[%mul3A_2] : memref<4096xi32, #tpu.memory_space<hbm>> -> memref<128xi32, #tpu.memory_space<hbm>>
      %dma_start3A_26 = tpu.memref_slice %arg3[%mul3A_2] : memref<4096xi32, #tpu.memory_space<hbm>> -> memref<128xi32, #tpu.memory_space<hbm>>
      tpu.enqueue_dma source(%dma_start3A_26 : memref<128xi32, #tpu.memory_space<hbm>>) target(%arg5 : memref<128xi32, #tpu.memory_space<vmem>>) target_semaphore(%run_scoped3A : memref<!tpu.dma_semaphore, #tpu.memory_space<semaphore_mem>>)
      %dma_wait3A_27 = tpu.memref_slice %arg3[%mul3A_2] : memref<4096xi32, #tpu.memory_space<hbm>> -> memref<128xi32, #tpu.memory_space<hbm>>
      %dma_wait3A_28 = tpu.memref_slice %arg3[%mul3A_2] : memref<4096xi32, #tpu.memory_space<hbm>> -> memref<128xi32, #tpu.memory_space<hbm>>
      tpu.wait_dma2 semaphore(%run_scoped3A : memref<!tpu.dma_semaphore, #tpu.memory_space<semaphore_mem>>) src(%dma_wait3A_28 : memref<128xi32, #tpu.memory_space<hbm>>) dst(%arg5 : memref<128xi32, #tpu.memory_space<vmem>>)
      tpu.yield
    }) : () -> ()
    %dma_start3A = arith.constant 0 : i32
    %dma_start3A_3 = tpu.memref_slice %arg5[%dma_start3A] : memref<128xi32, #tpu.memory_space<vmem>> -> memref<64xi32, #tpu.memory_space<vmem>>
    %dma_start3A_4 = arith.constant 0 : i32
    %dma_start3A_5 = arith.constant 0 : i32
    %dma_start3A_6 = tpu.memref_slice %arg2[%dma_start3A_4, %dma_start3A_5] : memref<6144x1024xf32, #tpu.memory_space<hbm>> -> memref<6144x1024xf32, #tpu.memory_space<hbm>>
    tpu.enqueue_indirect_dma source(%dma_start3A_6 : memref<6144x1024xf32, #tpu.memory_space<hbm>>) target(%arg6 : memref<64x1024xf32, #tpu.memory_space<vmem>>) offsets(%dma_start3A_3 : memref<64xi32, #tpu.memory_space<vmem>>) semaphore(%arg7 : memref<!tpu.dma_semaphore, #tpu.memory_space<semaphore_mem>>)
    %dma_wait3A = arith.constant 0 : i32
    %dma_wait3A_7 = tpu.memref_slice %arg5[%dma_wait3A] : memref<128xi32, #tpu.memory_space<vmem>> -> memref<64xi32, #tpu.memory_space<vmem>>
    %dma_wait3A_8 = arith.constant 0 : i32
    %dma_wait3A_9 = arith.constant 0 : i32
    %dma_wait3A_10 = tpu.memref_slice %arg2[%dma_wait3A_8, %dma_wait3A_9] : memref<6144x1024xf32, #tpu.memory_space<hbm>> -> memref<6144x1024xf32, #tpu.memory_space<hbm>>
    tpu.wait_indirect_dma semaphore(%arg7 : memref<!tpu.dma_semaphore, #tpu.memory_space<semaphore_mem>>) src(%dma_wait3A_10 : memref<6144x1024xf32, #tpu.memory_space<hbm>>) dst(%arg6 : memref<64x1024xf32, #tpu.memory_space<vmem>>)
    %add3A_11 = arith.constant 0 : i32
    %add3A_12 = arith.addi %mul3A_2, %add3A_11 : i32
    "tpu.region"() ({
      %run_scoped3A = tpu.sem_alloc : memref<!tpu.dma_semaphore, #tpu.memory_space<semaphore_mem>>
      %dma_start3A_25 = arith.constant 0 : i32
      %dma_start3A_26 = tpu.memref_slice %arg4[%add3A_12, %dma_start3A_25] : memref<4096x1024xf32, #tpu.memory_space<hbm>> -> memref<64x1024xf32, #tpu.memory_space<hbm>>
      %dma_start3A_27 = arith.constant 0 : i32
      %dma_start3A_28 = tpu.memref_slice %arg4[%add3A_12, %dma_start3A_27] : memref<4096x1024xf32, #tpu.memory_space<hbm>> -> memref<64x1024xf32, #tpu.memory_space<hbm>>
      tpu.enqueue_dma source(%arg6 : memref<64x1024xf32, #tpu.memory_space<vmem>>) target(%dma_start3A_28 : memref<64x1024xf32, #tpu.memory_space<hbm>>) target_semaphore(%run_scoped3A : memref<!tpu.dma_semaphore, #tpu.memory_space<semaphore_mem>>)
      %dma_wait3A_29 = arith.constant 0 : i32
      %dma_wait3A_30 = tpu.memref_slice %arg4[%add3A_12, %dma_wait3A_29] : memref<4096x1024xf32, #tpu.memory_space<hbm>> -> memref<64x1024xf32, #tpu.memory_space<hbm>>
      %dma_wait3A_31 = arith.constant 0 : i32
      %dma_wait3A_32 = tpu.memref_slice %arg4[%add3A_12, %dma_wait3A_31] : memref<4096x1024xf32, #tpu.memory_space<hbm>> -> memref<64x1024xf32, #tpu.memory_space<hbm>>
      tpu.wait_dma2 semaphore(%run_scoped3A : memref<!tpu.dma_semaphore, #tpu.memory_space<semaphore_mem>>) src(%arg6 : memref<64x1024xf32, #tpu.memory_space<vmem>>) dst(%dma_wait3A_32 : memref<64x1024xf32, #tpu.memory_space<hbm>>)
      tpu.yield
    }) : () -> ()
    %dma_start3A_13 = arith.constant 64 : i32
    %dma_start3A_14 = tpu.memref_slice %arg5[%dma_start3A_13] : memref<128xi32, #tpu.memory_space<vmem>> -> memref<64xi32, #tpu.memory_space<vmem>>
    %dma_start3A_15 = arith.constant 0 : i32
    %dma_start3A_16 = arith.constant 0 : i32
    %dma_start3A_17 = tpu.memref_slice %arg2[%dma_start3A_15, %dma_start3A_16] : memref<6144x1024xf32, #tpu.memory_space<hbm>> -> memref<6144x1024xf32, #tpu.memory_space<hbm>>
    tpu.enqueue_indirect_dma source(%dma_start3A_17 : memref<6144x1024xf32, #tpu.memory_space<hbm>>) target(%arg6 : memref<64x1024xf32, #tpu.memory_space<vmem>>) offsets(%dma_start3A_14 : memref<64xi32, #tpu.memory_space<vmem>>) semaphore(%arg7 : memref<!tpu.dma_semaphore, #tpu.memory_space<semaphore_mem>>)
    %dma_wait3A_18 = arith.constant 64 : i32
    %dma_wait3A_19 = tpu.memref_slice %arg5[%dma_wait3A_18] : memref<128xi32, #tpu.memory_space<vmem>> -> memref<64xi32, #tpu.memory_space<vmem>>
    %dma_wait3A_20 = arith.constant 0 : i32
    %dma_wait3A_21 = arith.constant 0 : i32
    %dma_wait3A_22 = tpu.memref_slice %arg2[%dma_wait3A_20, %dma_wait3A_21] : memref<6144x1024xf32, #tpu.memory_space<hbm>> -> memref<6144x1024xf32, #tpu.memory_space<hbm>>
    tpu.wait_indirect_dma semaphore(%arg7 : memref<!tpu.dma_semaphore, #tpu.memory_space<semaphore_mem>>) src(%dma_wait3A_22 : memref<6144x1024xf32, #tpu.memory_space<hbm>>) dst(%arg6 : memref<64x1024xf32, #tpu.memory_space<vmem>>)
    %add3A_23 = arith.constant 64 : i32
    %add3A_24 = arith.addi %mul3A_2, %add3A_23 : i32
    "tpu.region"() ({
      %run_scoped3A = tpu.sem_alloc : memref<!tpu.dma_semaphore, #tpu.memory_space<semaphore_mem>>
      %dma_start3A_25 = arith.constant 0 : i32
      %dma_start3A_26 = tpu.memref_slice %arg4[%add3A_24, %dma_start3A_25] : memref<4096x1024xf32, #tpu.memory_space<hbm>> -> memref<64x1024xf32, #tpu.memory_space<hbm>>
      %dma_start3A_27 = arith.constant 0 : i32
      %dma_start3A_28 = tpu.memref_slice %arg4[%add3A_24, %dma_start3A_27] : memref<4096x1024xf32, #tpu.memory_space<hbm>> -> memref<64x1024xf32, #tpu.memory_space<hbm>>
      tpu.enqueue_dma source(%arg6 : memref<64x1024xf32, #tpu.memory_space<vmem>>) target(%dma_start3A_28 : memref<64x1024xf32, #tpu.memory_space<hbm>>) target_semaphore(%run_scoped3A : memref<!tpu.dma_semaphore, #tpu.memory_space<semaphore_mem>>)
      %dma_wait3A_29 = arith.constant 0 : i32
      %dma_wait3A_30 = tpu.memref_slice %arg4[%add3A_24, %dma_wait3A_29] : memref<4096x1024xf32, #tpu.memory_space<hbm>> -> memref<64x1024xf32, #tpu.memory_space<hbm>>
      %dma_wait3A_31 = arith.constant 0 : i32
      %dma_wait3A_32 = tpu.memref_slice %arg4[%add3A_24, %dma_wait3A_31] : memref<4096x1024xf32, #tpu.memory_space<hbm>> -> memref<64x1024xf32, #tpu.memory_space<hbm>>
      tpu.wait_dma2 semaphore(%run_scoped3A : memref<!tpu.dma_semaphore, #tpu.memory_space<semaphore_mem>>) src(%arg6 : memref<64x1024xf32, #tpu.memory_space<vmem>>) dst(%dma_wait3A_32 : memref<64x1024xf32, #tpu.memory_space<hbm>>)
      tpu.yield
    }) : () -> ()
    return
  }
}

#map = affine_map<(d0, d1) -> (0)>
module attributes {stable_mosaic.version = 14 : i64} {
  func.func @_scatter_src(%arg0: i32, %arg1: i32, %arg2: memref<4096xi32, #tpu.memory_space<hbm>>, %arg3: memref<6144xi32, #tpu.memory_space<hbm>>, %arg4: memref<4096xi32, #tpu.memory_space<vmem>>, %arg5: memref<6144xi32, #tpu.memory_space<vmem>>) attributes {dimension_semantics = [#tpu.dimension_semantics<core_parallel>, #tpu.dimension_semantics<subcore_parallel>], iteration_bounds = array<i64: 2, 16>, scalar_prefetch = 0 : i64, scratch_operands = 2 : i64, tpu.core_type = #tpu.core_type<sc_vector_subcore>, window_params = [{transform_indices = #map}, {transform_indices = #map}]} {
    %mul3A = arith.constant 2 : i32
    %mul3A_0 = arith.muli %arg1, %mul3A : i32
    %add3A = arith.addi %mul3A_0, %arg0 : i32
    %eq3A = arith.constant 0 : i32
    %eq3A_1 = arith.cmpi eq, %add3A, %eq3A : i32
    %convert_element_type3A = arith.extui %eq3A_1 : i1 to i32
    %cond3A = arith.constant 0 : i32
    %cond3A_2 = arith.cmpi ne, %convert_element_type3A, %cond3A : i32
    scf.if %cond3A_2 {
      "tpu.region"() ({
        %run_scoped3A = tpu.sem_alloc : memref<!tpu.dma_semaphore, #tpu.memory_space<semaphore_mem>>
        tpu.enqueue_dma source(%arg2 : memref<4096xi32, #tpu.memory_space<hbm>>) target(%arg4 : memref<4096xi32, #tpu.memory_space<vmem>>) target_semaphore(%run_scoped3A : memref<!tpu.dma_semaphore, #tpu.memory_space<semaphore_mem>>)
        tpu.wait_dma2 semaphore(%run_scoped3A : memref<!tpu.dma_semaphore, #tpu.memory_space<semaphore_mem>>) src(%arg2 : memref<4096xi32, #tpu.memory_space<hbm>>) dst(%arg4 : memref<4096xi32, #tpu.memory_space<vmem>>)
        tpu.yield
      }) : () -> ()
      %iota3A = tpu.iota {dimensions = array<i32: 0>} : vector<16xi32>
      %scan3A = arith.constant 0 : i32
      %scan3A_3 = arith.constant 0 : i32
      %scan3A_4 = arith.constant 384 : i32
      %scan3A_5 = arith.addi %scan3A_3, %scan3A_4 : i32
      %scan3A_6 = arith.constant 1 : i32
      %scan3A_7 = scf.for %scan3A_16 = %scan3A_3 to %scan3A_5 step %scan3A_6 iter_args(%scan3A_17 = %scan3A) -> (i32)  : i32 {
        %mul3A_18 = arith.constant 16 : i32
        %mul3A_19 = arith.muli %scan3A_16, %mul3A_18 : i32
        %add3A_20 = vector.broadcast %mul3A_19 : i32 to vector<16xi32>
        %add3A_21 = arith.addi %add3A_20, %iota3A : vector<16xi32>
        %and3A = arith.constant 2047 : i32
        %and3A_22 = vector.broadcast %and3A : i32 to vector<16xi32>
        %and3A_23 = arith.andi %add3A_21, %and3A_22 : vector<16xi32>
        %mul3A_24 = arith.constant 16 : i32
        %mul3A_25 = arith.muli %scan3A_16, %mul3A_24 : i32
        %swap3A = arith.index_cast %mul3A_25 : i32 to index
        %swap3A_26 = tpu.vector_load %arg5[%swap3A] {strides = array<i32>} : memref<6144xi32, #tpu.memory_space<vmem>>, vector<16xi32>,
        tpu.vector_store %arg5[%swap3A], %and3A_23 {strides = array<i32>} : memref<6144xi32, #tpu.memory_space<vmem>>, vector<16xi32>,
        %scan3A_27 = arith.constant 0 : i32
        scf.yield %scan3A_27 : i32
      }
      %scan3A_8 = arith.constant 384 : i32
      %scan3A_9 = arith.constant 0 : i32
      %scan3A_10 = arith.constant 0 : i32
      %scan3A_11 = arith.constant 256 : i32
      %scan3A_12 = arith.addi %scan3A_10, %scan3A_11 : i32
      %scan3A_13 = arith.constant 1 : i32
      %scan3A_14 = scf.for %scan3A_16 = %scan3A_10 to %scan3A_12 step %scan3A_13 iter_args(%scan3A_17 = %scan3A_9) -> (i32)  : i32 {
        %mul3A_18 = arith.constant 16 : i32
        %mul3A_19 = arith.muli %scan3A_16, %mul3A_18 : i32
        %get3A = arith.index_cast %mul3A_19 : i32 to index
        %get3A_20 = tpu.vector_load %arg4[%get3A] {strides = array<i32>} : memref<4096xi32, #tpu.memory_space<vmem>>, vector<16xi32>,
        %mul3A_21 = arith.constant 16 : i32
        %mul3A_22 = arith.muli %scan3A_16, %mul3A_21 : i32
        %add3A_23 = vector.broadcast %mul3A_22 : i32 to vector<16xi32>
        %add3A_24 = arith.addi %add3A_23, %iota3A : vector<16xi32>
        %and3A = arith.constant 2047 : i32
        %and3A_25 = vector.broadcast %and3A : i32 to vector<16xi32>
        %and3A_26 = arith.andi %add3A_24, %and3A_25 : vector<16xi32>
        tpu.vector_store_idx %arg5[%get3A_20], %and3A_26 : memref<6144xi32, #tpu.memory_space<vmem>>[vector<16xi32>], vector<16xi32>,
        %scan3A_27 = arith.constant 0 : i32
        scf.yield %scan3A_27 : i32
      }
      %scan3A_15 = arith.constant 256 : i32
      "tpu.region"() ({
        %run_scoped3A = tpu.sem_alloc : memref<!tpu.dma_semaphore, #tpu.memory_space<semaphore_mem>>
        tpu.enqueue_dma source(%arg5 : memref<6144xi32, #tpu.memory_space<vmem>>) target(%arg3 : memref<6144xi32, #tpu.memory_space<hbm>>) target_semaphore(%run_scoped3A : memref<!tpu.dma_semaphore, #tpu.memory_space<semaphore_mem>>)
        tpu.wait_dma2 semaphore(%run_scoped3A : memref<!tpu.dma_semaphore, #tpu.memory_space<semaphore_mem>>) src(%arg5 : memref<6144xi32, #tpu.memory_space<vmem>>) dst(%arg3 : memref<6144xi32, #tpu.memory_space<hbm>>)
        tpu.yield
      }) : () -> ()
    } else {
    }
    return
  }
}

module attributes {stable_mosaic.version = 14 : i64} {
  func.func @_route_body(%arg0: memref<2048x1024xf32, #tpu.memory_space<vmem>>, %arg1: memref<1024x8xf32, #tpu.memory_space<vmem>>, %arg2: memref<1x8xf32, #tpu.memory_space<vmem>>, %arg3: memref<2048x2xf32, #tpu.memory_space<vmem>>, %arg4: memref<2048x2xi32, #tpu.memory_space<vmem>>, %arg5: memref<32xi32, #tpu.memory_space<vmem>>, %arg6: memref<32xi32, #tpu.memory_space<vmem>>, %arg7: memref<32xi32, #tpu.memory_space<vmem>>, %arg8: memref<32xi32, #tpu.memory_space<vmem>>, %arg9: memref<2048x8xf32, #tpu.memory_space<vmem>>, %arg10: memref<2048x8xf32, #tpu.memory_space<vmem>>, %arg11: memref<2048x8xf32, #tpu.memory_space<vmem>>) attributes {dimension_semantics = [], scalar_prefetch = 0 : i64, scratch_operands = 3 : i64, tpu.core_type = #tpu.core_type<tc>} {
    %iota3A = tpu.iota {dimensions = array<i32: 0>} : vector<128x128xi32>
    %iota3A_0 = tpu.iota {dimensions = array<i32: 1>} : vector<128x128xi32>
    %gt3A = arith.cmpi sgt, %iota3A, %iota3A_0 : vector<128x128xi32>
    %convert_element_type3A = arith.extui %gt3A : vector<128x128xi1> to vector<128x128xi32>
    %convert_element_type3A_1 = arith.sitofp %convert_element_type3A : vector<128x128xi32> to vector<128x128xf32>
    %iota3A_2 = tpu.iota {dimensions = array<i32: 1>} : vector<128x8xi32>
    %broadcast_in_dim3A = arith.constant 0.000000e+00 : f32
    %broadcast_in_dim3A_3 = vector.broadcast %broadcast_in_dim3A : f32 to vector<1x8xf32>
    %scan3A = arith.constant 0 : i32
    %scan3A_4 = arith.constant 16 : i32
    %scan3A_5 = arith.addi %scan3A, %scan3A_4 : i32
    %scan3A_6 = arith.constant 1 : i32
    %scan3A_7 = scf.for %scan3A_117 = %scan3A to %scan3A_5 step %scan3A_6 iter_args(%scan3A_118 = %broadcast_in_dim3A_3) -> (vector<1x8xf32>)  : i32 {
      %mul3A_119 = arith.constant 128 : i32
      %mul3A_120 = arith.muli %scan3A_117, %mul3A_119 : i32
      %get3A = arith.index_cast %mul3A_120 : i32 to index
      %get3A_121 = arith.constant 0 : index
      %get3A_122 = vector.load %arg0[%get3A, %get3A_121] : memref<2048x1024xf32, #tpu.memory_space<vmem>>, vector<128x1024xf32>
      %get3A_123 = arith.constant 0 : index
      %get3A_124 = arith.constant 0 : index
      %get3A_125 = vector.load %arg1[%get3A_123, %get3A_124] : memref<1024x8xf32, #tpu.memory_space<vmem>>, vector<1024x8xf32>
      %dot_general3A_126 = arith.constant dense<0.000000e+00> : vector<128x8xf32>
      %dot_general3A_127 = tpu.matmul %get3A_122, %get3A_125, %dot_general3A_126 {dimension_numbers = #tpu.dot_dimension_numbers<[1], [0], [0], [1], [0, 0, 1, 1], [], []>, transpose_lhs_hint = false} : vector<128x1024xf32>, vector<1024x8xf32>, vector<128x8xf32> -> vector<128x8xf32>
      %get3A_128 = arith.constant 0 : index
      %get3A_129 = arith.constant 0 : index
      %get3A_130 = vector.load %arg2[%get3A_128, %get3A_129] : memref<1x8xf32, #tpu.memory_space<vmem>>, vector<1x8xf32>
      %get3A_131 = vector.shape_cast %get3A_130 : vector<1x8xf32> to vector<8xf32>
      %broadcast_in_dim3A_132 = vector.shape_cast %get3A_131 : vector<8xf32> to vector<1x8xf32>
      %add3A_133 = vector.broadcast %broadcast_in_dim3A_132 : vector<1x8xf32> to vector<128x8xf32>
      %add3A_134 = arith.addf %dot_general3A_127, %add3A_133 : vector<128x8xf32>
      %reduce_max3A = arith.constant dense<0xFF800000> : vector<128xf32>
      %reduce_max3A_135 = vector.multi_reduction <maximumf>, %add3A_134, %reduce_max3A [1] : vector<128x8xf32> to vector<128xf32>
      %broadcast_in_dim3A_136 = vector.shape_cast %reduce_max3A_135 : vector<128xf32> to vector<128x1xf32>
      %sub3A_137 = vector.broadcast %broadcast_in_dim3A_136 : vector<128x1xf32> to vector<128x8xf32>
      %sub3A_138 = arith.subf %add3A_134, %sub3A_137 : vector<128x8xf32>
      %exp3A = math.exp %sub3A_138 : vector<128x8xf32>
      %reduce_sum3A_139 = arith.constant dense<0.000000e+00> : vector<128xf32>
      %reduce_sum3A_140 = vector.multi_reduction <add>, %exp3A, %reduce_sum3A_139 [1] : vector<128x8xf32> to vector<128xf32>
      %broadcast_in_dim3A_141 = vector.shape_cast %reduce_sum3A_140 : vector<128xf32> to vector<128x1xf32>
      %div3A = vector.broadcast %broadcast_in_dim3A_141 : vector<128x1xf32> to vector<128x8xf32>
      %div3A_142 = arith.divf %exp3A, %div3A : vector<128x8xf32>
      %reduce_max3A_143 = arith.constant dense<0xFF800000> : vector<128xf32>
      %reduce_max3A_144 = vector.multi_reduction <maximumf>, %div3A_142, %reduce_max3A_143 [1] : vector<128x8xf32> to vector<128xf32>
      %broadcast_in_dim3A_145 = vector.shape_cast %reduce_max3A_144 : vector<128xf32> to vector<128x1xf32>
      %eq3A = vector.broadcast %broadcast_in_dim3A_145 : vector<128x1xf32> to vector<128x8xf32>
      %eq3A_146 = arith.cmpf oeq, %div3A_142, %eq3A : vector<128x8xf32>
      %jit3A_147 = arith.constant 8 : i32
      %broadcast_in_dim3A_148 = vector.broadcast %jit3A_147 : i32 to vector<128x8xi32>
      %select_n3A_149 = arith.select %eq3A_146, %iota3A_2, %broadcast_in_dim3A_148 : vector<128x8xi1>, vector<128x8xi32>
      %reduce_min3A_150 = arith.constant dense<2147483647> : vector<128xi32>
      %reduce_min3A_151 = vector.multi_reduction <minsi>, %select_n3A_149, %reduce_min3A_150 [1] : vector<128x8xi32> to vector<128xi32>
      %broadcast_in_dim3A_152 = vector.shape_cast %reduce_min3A_151 : vector<128xi32> to vector<128x1xi32>
      %eq3A_153 = vector.broadcast %broadcast_in_dim3A_152 : vector<128x1xi32> to vector<128x8xi32>
      %eq3A_154 = arith.cmpi eq, %iota3A_2, %eq3A_153 : vector<128x8xi32>
      %convert_element_type3A_155 = arith.extui %eq3A_154 : vector<128x8xi1> to vector<128x8xi32>
      %convert_element_type3A_156 = arith.sitofp %convert_element_type3A_155 : vector<128x8xi32> to vector<128x8xf32>
      %mul3A_157 = arith.mulf %div3A_142, %convert_element_type3A_156 : vector<128x8xf32>
      %reduce_sum3A_158 = arith.constant dense<0.000000e+00> : vector<128xf32>
      %reduce_sum3A_159 = vector.multi_reduction <add>, %mul3A_157, %reduce_sum3A_158 [1] : vector<128x8xf32> to vector<128xf32>
      %broadcast_in_dim3A_160 = vector.shape_cast %reduce_sum3A_159 : vector<128xf32> to vector<128x1xf32>
      %gt3A_161 = arith.constant 0.000000e+00 : f32
      %gt3A_162 = vector.broadcast %gt3A_161 : f32 to vector<128x8xf32>
      %gt3A_163 = arith.cmpf ogt, %convert_element_type3A_156, %gt3A_162 : vector<128x8xf32>
      %jit3A_164 = arith.constant 0xFF800000 : f32
      %broadcast_in_dim3A_165 = vector.broadcast %jit3A_164 : f32 to vector<128x8xf32>
      %select_n3A_166 = arith.select %gt3A_163, %broadcast_in_dim3A_165, %div3A_142 : vector<128x8xi1>, vector<128x8xf32>
      %reduce_max3A_167 = arith.constant dense<0xFF800000> : vector<128xf32>
      %reduce_max3A_168 = vector.multi_reduction <maximumf>, %select_n3A_166, %reduce_max3A_167 [1] : vector<128x8xf32> to vector<128xf32>
      %broadcast_in_dim3A_169 = vector.shape_cast %reduce_max3A_168 : vector<128xf32> to vector<128x1xf32>
      %eq3A_170 = vector.broadcast %broadcast_in_dim3A_169 : vector<128x1xf32> to vector<128x8xf32>
      %eq3A_171 = arith.cmpf oeq, %select_n3A_166, %eq3A_170 : vector<128x8xf32>
      %jit3A_172 = arith.constant 8 : i32
      %broadcast_in_dim3A_173 = vector.broadcast %jit3A_172 : i32 to vector<128x8xi32>
      %select_n3A_174 = arith.select %eq3A_171, %iota3A_2, %broadcast_in_dim3A_173 : vector<128x8xi1>, vector<128x8xi32>
      %reduce_min3A_175 = arith.constant dense<2147483647> : vector<128xi32>
      %reduce_min3A_176 = vector.multi_reduction <minsi>, %select_n3A_174, %reduce_min3A_175 [1] : vector<128x8xi32> to vector<128xi32>
      %broadcast_in_dim3A_177 = vector.shape_cast %reduce_min3A_176 : vector<128xi32> to vector<128x1xi32>
      %eq3A_178 = vector.broadcast %broadcast_in_dim3A_177 : vector<128x1xi32> to vector<128x8xi32>
      %eq3A_179 = arith.cmpi eq, %iota3A_2, %eq3A_178 : vector<128x8xi32>
      %convert_element_type3A_180 = arith.extui %eq3A_179 : vector<128x8xi1> to vector<128x8xi32>
      %convert_element_type3A_181 = arith.sitofp %convert_element_type3A_180 : vector<128x8xi32> to vector<128x8xf32>
      %mul3A_182 = arith.mulf %div3A_142, %convert_element_type3A_181 : vector<128x8xf32>
      %reduce_sum3A_183 = arith.constant dense<0.000000e+00> : vector<128xf32>
      %reduce_sum3A_184 = vector.multi_reduction <add>, %mul3A_182, %reduce_sum3A_183 [1] : vector<128x8xf32> to vector<128xf32>
      %broadcast_in_dim3A_185 = vector.shape_cast %reduce_sum3A_184 : vector<128xf32> to vector<128x1xf32>
      %concatenate3A = tpu.concatenate %broadcast_in_dim3A_160, %broadcast_in_dim3A_185 in 1 : vector<128x1xf32>, vector<128x1xf32> -> vector<128x2xf32>
      %mul3A_186 = arith.constant 128 : i32
      %mul3A_187 = arith.muli %scan3A_117, %mul3A_186 : i32
      %swap3A_188 = arith.index_cast %mul3A_187 : i32 to index
      %swap3A_189 = arith.constant 0 : index
      %swap3A_190 = vector.load %arg3[%swap3A_188, %swap3A_189] : memref<2048x2xf32, #tpu.memory_space<vmem>>, vector<128x2xf32>
      tpu.vector_store %arg3[%swap3A_188, %swap3A_189], %concatenate3A {strides = array<i32>} : memref<2048x2xf32, #tpu.memory_space<vmem>>, vector<128x2xf32>,
      %add3A_191 = arith.addf %convert_element_type3A_156, %convert_element_type3A_181 : vector<128x8xf32>
      %dot_general3A_192 = arith.constant dense<0.000000e+00> : vector<128x8xf32>
      %dot_general3A_193 = tpu.matmul %convert_element_type3A_1, %add3A_191, %dot_general3A_192 {dimension_numbers = #tpu.dot_dimension_numbers<[1], [0], [0], [1], [0, 0, 1, 1], [], []>, transpose_lhs_hint = false} : vector<128x128xf32>, vector<128x8xf32>, vector<128x8xf32> -> vector<128x8xf32>
      %add3A_194 = vector.broadcast %scan3A_118 : vector<1x8xf32> to vector<128x8xf32>
      %add3A_195 = arith.addf %dot_general3A_193, %add3A_194 : vector<128x8xf32>
      %mul3A_196 = arith.constant 128 : i32
      %mul3A_197 = arith.muli %scan3A_117, %mul3A_196 : i32
      %swap3A_198 = arith.index_cast %mul3A_197 : i32 to index
      %swap3A_199 = arith.constant 0 : index
      %swap3A_200 = vector.load %arg9[%swap3A_198, %swap3A_199] : memref<2048x8xf32, #tpu.memory_space<vmem>>, vector<128x8xf32>
      tpu.vector_store %arg9[%swap3A_198, %swap3A_199], %add3A_195 {strides = array<i32>} : memref<2048x8xf32, #tpu.memory_space<vmem>>, vector<128x8xf32>,
      %mul3A_201 = arith.constant 128 : i32
      %mul3A_202 = arith.muli %scan3A_117, %mul3A_201 : i32
      %swap3A_203 = arith.index_cast %mul3A_202 : i32 to index
      %swap3A_204 = arith.constant 0 : index
      %swap3A_205 = vector.load %arg10[%swap3A_203, %swap3A_204] : memref<2048x8xf32, #tpu.memory_space<vmem>>, vector<128x8xf32>
      tpu.vector_store %arg10[%swap3A_203, %swap3A_204], %convert_element_type3A_156 {strides = array<i32>} : memref<2048x8xf32, #tpu.memory_space<vmem>>, vector<128x8xf32>,
      %mul3A_206 = arith.constant 128 : i32
      %mul3A_207 = arith.muli %scan3A_117, %mul3A_206 : i32
      %swap3A_208 = arith.index_cast %mul3A_207 : i32 to index
      %swap3A_209 = arith.constant 0 : index
      %swap3A_210 = vector.load %arg11[%swap3A_208, %swap3A_209] : memref<2048x8xf32, #tpu.memory_space<vmem>>, vector<128x8xf32>
      tpu.vector_store %arg11[%swap3A_208, %swap3A_209], %convert_element_type3A_181 {strides = array<i32>} : memref<2048x8xf32, #tpu.memory_space<vmem>>, vector<128x8xf32>,
      %reduce_sum3A_211 = arith.constant dense<0.000000e+00> : vector<8xf32>
      %reduce_sum3A_212 = vector.multi_reduction <add>, %add3A_191, %reduce_sum3A_211 [0] : vector<128x8xf32> to vector<8xf32>
      %broadcast_in_dim3A_213 = vector.shape_cast %reduce_sum3A_212 : vector<8xf32> to vector<1x8xf32>
      %add3A_214 = arith.addf %scan3A_118, %broadcast_in_dim3A_213 : vector<1x8xf32>
      scf.yield %add3A_214 : vector<1x8xf32>
    }
    %scan3A_8 = arith.constant 16 : i32
    %add3A = arith.constant 2.550000e+02 : f32
    %add3A_9 = vector.broadcast %add3A : f32 to vector<1x8xf32>
    %add3A_10 = arith.addf %scan3A_7, %add3A_9 : vector<1x8xf32>
    %mul3A = arith.constant 3.906250e-03 : f32
    %mul3A_11 = vector.broadcast %mul3A : f32 to vector<1x8xf32>
    %mul3A_12 = arith.mulf %add3A_10, %mul3A_11 : vector<1x8xf32>
    %floor3A = math.floor %mul3A_12 : vector<1x8xf32>
    %mul3A_13 = arith.constant 2.560000e+02 : f32
    %mul3A_14 = vector.broadcast %mul3A_13 : f32 to vector<1x8xf32>
    %mul3A_15 = arith.mulf %floor3A, %mul3A_14 : vector<1x8xf32>
    %iota3A_16 = tpu.iota {dimensions = array<i32: 0>} : vector<8x8xi32>
    %iota3A_17 = tpu.iota {dimensions = array<i32: 1>} : vector<8x8xi32>
    %lt3A = arith.cmpi slt, %iota3A_16, %iota3A_17 : vector<8x8xi32>
    %convert_element_type3A_18 = arith.extui %lt3A : vector<8x8xi1> to vector<8x8xi32>
    %convert_element_type3A_19 = arith.sitofp %convert_element_type3A_18 : vector<8x8xi32> to vector<8x8xf32>
    %dot_general3A = arith.constant dense<0.000000e+00> : vector<1x8xf32>
    %dot_general3A_20 = tpu.matmul %mul3A_15, %convert_element_type3A_19, %dot_general3A {dimension_numbers = #tpu.dot_dimension_numbers<[1], [0], [0], [1], [0, 0, 1, 1], [], []>, transpose_lhs_hint = false} : vector<1x8xf32>, vector<8x8xf32>, vector<1x8xf32> -> vector<1x8xf32>
    %mul3A_21 = arith.constant 3.906250e-03 : f32
    %mul3A_22 = vector.broadcast %mul3A_21 : f32 to vector<1x8xf32>
    %mul3A_23 = arith.mulf %dot_general3A_20, %mul3A_22 : vector<1x8xf32>
    %convert_element_type3A_24 = arith.fptosi %mul3A_23 : vector<1x8xf32> to vector<1x8xi32>
    %iota3A_25 = tpu.iota {dimensions = array<i32: 0>} : vector<32x8xi32>
    %ge3A = vector.broadcast %convert_element_type3A_24 : vector<1x8xi32> to vector<32x8xi32>
    %ge3A_26 = arith.cmpi sge, %iota3A_25, %ge3A : vector<32x8xi32>
    %convert_element_type3A_27 = arith.extui %ge3A_26 : vector<32x8xi1> to vector<32x8xi32>
    %reduce_sum3A = arith.constant dense<0> : vector<32xi32>
    %reduce_sum3A_28 = vector.multi_reduction <add>, %convert_element_type3A_27, %reduce_sum3A [1] : vector<32x8xi32> to vector<32xi32>
    %sub3A = arith.constant 1 : i32
    %sub3A_29 = vector.broadcast %sub3A : i32 to vector<32xi32>
    %sub3A_30 = arith.subi %reduce_sum3A_28, %sub3A_29 : vector<32xi32>
    %swap3A = arith.constant 0 : index
    %swap3A_31 = vector.load %arg5[%swap3A] : memref<32xi32, #tpu.memory_space<vmem>>, vector<32xi32>
    tpu.vector_store %arg5[%swap3A], %sub3A_30 {strides = array<i32>} : memref<32xi32, #tpu.memory_space<vmem>>, vector<32xi32>,
    %gt3A_32 = arith.constant 0.000000e+00 : f32
    %gt3A_33 = vector.broadcast %gt3A_32 : f32 to vector<1x8xf32>
    %gt3A_34 = arith.cmpf ogt, %scan3A_7, %gt3A_33 : vector<1x8xf32>
    %convert_element_type3A_35 = arith.extui %gt3A_34 : vector<1x8xi1> to vector<1x8xi32>
    %ge3A_36 = vector.broadcast %convert_element_type3A_24 : vector<1x8xi32> to vector<32x8xi32>
    %ge3A_37 = arith.cmpi sge, %iota3A_25, %ge3A_36 : vector<32x8xi32>
    %convert_element_type3A_38 = arith.extui %ge3A_37 : vector<32x8xi1> to vector<32x8xi32>
    %mul3A_39 = vector.broadcast %convert_element_type3A_35 : vector<1x8xi32> to vector<32x8xi32>
    %mul3A_40 = arith.muli %convert_element_type3A_38, %mul3A_39 : vector<32x8xi32>
    %reduce_sum3A_41 = arith.constant dense<0> : vector<32xi32>
    %reduce_sum3A_42 = vector.multi_reduction <add>, %mul3A_40, %reduce_sum3A_41 [1] : vector<32x8xi32> to vector<32xi32>
    %sub3A_43 = arith.constant 1 : i32
    %sub3A_44 = vector.broadcast %sub3A_43 : i32 to vector<32xi32>
    %sub3A_45 = arith.subi %reduce_sum3A_42, %sub3A_44 : vector<32xi32>
    %swap3A_46 = arith.constant 0 : index
    %swap3A_47 = vector.load %arg6[%swap3A_46] : memref<32xi32, #tpu.memory_space<vmem>>, vector<32xi32>
    tpu.vector_store %arg6[%swap3A_46], %sub3A_45 {strides = array<i32>} : memref<32xi32, #tpu.memory_space<vmem>>, vector<32xi32>,
    %gt3A_48 = vector.broadcast %convert_element_type3A_24 : vector<1x8xi32> to vector<32x8xi32>
    %gt3A_49 = arith.cmpi sgt, %gt3A_48, %iota3A_25 : vector<32x8xi32>
    %gt3A_50 = arith.constant 0 : i32
    %gt3A_51 = vector.broadcast %gt3A_50 : i32 to vector<1x8xi32>
    %gt3A_52 = arith.cmpi sgt, %convert_element_type3A_35, %gt3A_51 : vector<1x8xi32>
    %and3A = vector.broadcast %gt3A_52 : vector<1x8xi1> to vector<32x8xi1>
    %and3A_53 = arith.andi %gt3A_49, %and3A : vector<32x8xi1>
    %jit3A = arith.constant 33 : i32
    %broadcast_in_dim3A_54 = vector.shape_cast %convert_element_type3A_24 : vector<1x8xi32> to vector<1x8xi32>
    %broadcast_in_dim3A_55 = vector.broadcast %broadcast_in_dim3A_54 : vector<1x8xi32> to vector<32x8xi32>
    %broadcast_in_dim3A_56 = vector.broadcast %jit3A : i32 to vector<32x8xi32>
    %select_n3A = arith.select %and3A_53, %broadcast_in_dim3A_55, %broadcast_in_dim3A_56 : vector<32x8xi1>, vector<32x8xi32>
    %reduce_min3A = arith.constant dense<2147483647> : vector<32xi32>
    %reduce_min3A_57 = vector.multi_reduction <minsi>, %select_n3A, %reduce_min3A [1] : vector<32x8xi32> to vector<32xi32>
    %broadcast_in_dim3A_58 = vector.shape_cast %reduce_min3A_57 : vector<32xi32> to vector<32x1xi32>
    %ge3A_59 = vector.broadcast %broadcast_in_dim3A_58 : vector<32x1xi32> to vector<32x8xi32>
    %ge3A_60 = vector.broadcast %convert_element_type3A_24 : vector<1x8xi32> to vector<32x8xi32>
    %ge3A_61 = arith.cmpi sge, %ge3A_59, %ge3A_60 : vector<32x8xi32>
    %convert_element_type3A_62 = arith.extui %ge3A_61 : vector<32x8xi1> to vector<32x8xi32>
    %reduce_sum3A_63 = arith.constant dense<0> : vector<32xi32>
    %reduce_sum3A_64 = vector.multi_reduction <add>, %convert_element_type3A_62, %reduce_sum3A_63 [1] : vector<32x8xi32> to vector<32xi32>
    %broadcast_in_dim3A_65 = vector.shape_cast %reduce_sum3A_64 : vector<32xi32> to vector<32x1xi32>
    %sub3A_66 = arith.constant 1 : i32
    %sub3A_67 = vector.broadcast %sub3A_66 : i32 to vector<32x1xi32>
    %sub3A_68 = arith.subi %broadcast_in_dim3A_65, %sub3A_67 : vector<32x1xi32>
    %lt3A_69 = arith.constant 33 : i32
    %lt3A_70 = vector.broadcast %lt3A_69 : i32 to vector<32x1xi32>
    %lt3A_71 = arith.cmpi slt, %broadcast_in_dim3A_58, %lt3A_70 : vector<32x1xi32>
    %jit3A_72 = arith.constant -1 : i32
    %broadcast_in_dim3A_73 = vector.broadcast %jit3A_72 : i32 to vector<32x1xi32>
    %select_n3A_74 = arith.select %lt3A_71, %sub3A_68, %broadcast_in_dim3A_73 : vector<32x1xi1>, vector<32x1xi32>
    %squeeze3A = vector.shape_cast %select_n3A_74 : vector<32x1xi32> to vector<32xi32>
    %swap3A_75 = arith.constant 0 : index
    %swap3A_76 = vector.load %arg7[%swap3A_75] : memref<32xi32, #tpu.memory_space<vmem>>, vector<32xi32>
    tpu.vector_store %arg7[%swap3A_75], %squeeze3A {strides = array<i32>} : memref<32xi32, #tpu.memory_space<vmem>>, vector<32xi32>,
    %gt3A_77 = vector.broadcast %convert_element_type3A_24 : vector<1x8xi32> to vector<32x8xi32>
    %gt3A_78 = vector.broadcast %broadcast_in_dim3A_58 : vector<32x1xi32> to vector<32x8xi32>
    %gt3A_79 = arith.cmpi sgt, %gt3A_77, %gt3A_78 : vector<32x8xi32>
    %gt3A_80 = arith.constant 0 : i32
    %gt3A_81 = vector.broadcast %gt3A_80 : i32 to vector<1x8xi32>
    %gt3A_82 = arith.cmpi sgt, %convert_element_type3A_35, %gt3A_81 : vector<1x8xi32>
    %and3A_83 = vector.broadcast %gt3A_82 : vector<1x8xi1> to vector<32x8xi1>
    %and3A_84 = arith.andi %gt3A_79, %and3A_83 : vector<32x8xi1>
    %jit3A_85 = arith.constant 33 : i32
    %broadcast_in_dim3A_86 = vector.shape_cast %convert_element_type3A_24 : vector<1x8xi32> to vector<1x8xi32>
    %broadcast_in_dim3A_87 = vector.broadcast %broadcast_in_dim3A_86 : vector<1x8xi32> to vector<32x8xi32>
    %broadcast_in_dim3A_88 = vector.broadcast %jit3A_85 : i32 to vector<32x8xi32>
    %select_n3A_89 = arith.select %and3A_84, %broadcast_in_dim3A_87, %broadcast_in_dim3A_88 : vector<32x8xi1>, vector<32x8xi32>
    %reduce_min3A_90 = arith.constant dense<2147483647> : vector<32xi32>
    %reduce_min3A_91 = vector.multi_reduction <minsi>, %select_n3A_89, %reduce_min3A_90 [1] : vector<32x8xi32> to vector<32xi32>
    %broadcast_in_dim3A_92 = vector.shape_cast %reduce_min3A_91 : vector<32xi32> to vector<32x1xi32>
    %ge3A_93 = vector.broadcast %broadcast_in_dim3A_92 : vector<32x1xi32> to vector<32x8xi32>
    %ge3A_94 = vector.broadcast %convert_element_type3A_24 : vector<1x8xi32> to vector<32x8xi32>
    %ge3A_95 = arith.cmpi sge, %ge3A_93, %ge3A_94 : vector<32x8xi32>
    %convert_element_type3A_96 = arith.extui %ge3A_95 : vector<32x8xi1> to vector<32x8xi32>
    %reduce_sum3A_97 = arith.constant dense<0> : vector<32xi32>
    %reduce_sum3A_98 = vector.multi_reduction <add>, %convert_element_type3A_96, %reduce_sum3A_97 [1] : vector<32x8xi32> to vector<32xi32>
    %broadcast_in_dim3A_99 = vector.shape_cast %reduce_sum3A_98 : vector<32xi32> to vector<32x1xi32>
    %sub3A_100 = arith.constant 1 : i32
    %sub3A_101 = vector.broadcast %sub3A_100 : i32 to vector<32x1xi32>
    %sub3A_102 = arith.subi %broadcast_in_dim3A_99, %sub3A_101 : vector<32x1xi32>
    %lt3A_103 = arith.constant 33 : i32
    %lt3A_104 = vector.broadcast %lt3A_103 : i32 to vector<32x1xi32>
    %lt3A_105 = arith.cmpi slt, %broadcast_in_dim3A_92, %lt3A_104 : vector<32x1xi32>
    %jit3A_106 = arith.constant -1 : i32
    %broadcast_in_dim3A_107 = vector.broadcast %jit3A_106 : i32 to vector<32x1xi32>
    %select_n3A_108 = arith.select %lt3A_105, %sub3A_102, %broadcast_in_dim3A_107 : vector<32x1xi1>, vector<32x1xi32>
    %squeeze3A_109 = vector.shape_cast %select_n3A_108 : vector<32x1xi32> to vector<32xi32>
    %swap3A_110 = arith.constant 0 : index
    %swap3A_111 = vector.load %arg8[%swap3A_110] : memref<32xi32, #tpu.memory_space<vmem>>, vector<32xi32>
    tpu.vector_store %arg8[%swap3A_110], %squeeze3A_109 {strides = array<i32>} : memref<32xi32, #tpu.memory_space<vmem>>, vector<32xi32>,
    %scan3A_112 = arith.constant 0 : i32
    %scan3A_113 = arith.constant 16 : i32
    %scan3A_114 = arith.addi %scan3A_112, %scan3A_113 : i32
    %scan3A_115 = arith.constant 1 : i32
    scf.for %scan3A_117 = %scan3A_112 to %scan3A_114 step %scan3A_115  : i32 {
      %mul3A_118 = arith.constant 128 : i32
      %mul3A_119 = arith.muli %scan3A_117, %mul3A_118 : i32
      %get3A = arith.index_cast %mul3A_119 : i32 to index
      %get3A_120 = arith.constant 0 : index
      %get3A_121 = vector.load %arg9[%get3A, %get3A_120] : memref<2048x8xf32, #tpu.memory_space<vmem>>, vector<128x8xf32>
      %get3A_122 = arith.index_cast %mul3A_119 : i32 to index
      %get3A_123 = arith.constant 0 : index
      %get3A_124 = vector.load %arg10[%get3A_122, %get3A_123] : memref<2048x8xf32, #tpu.memory_space<vmem>>, vector<128x8xf32>
      %get3A_125 = arith.index_cast %mul3A_119 : i32 to index
      %get3A_126 = arith.constant 0 : index
      %get3A_127 = vector.load %arg11[%get3A_125, %get3A_126] : memref<2048x8xf32, #tpu.memory_space<vmem>>, vector<128x8xf32>
      %add3A_128 = vector.broadcast %dot_general3A_20 : vector<1x8xf32> to vector<128x8xf32>
      %add3A_129 = arith.addf %add3A_128, %get3A_121 : vector<128x8xf32>
      %mul3A_130 = arith.mulf %get3A_124, %add3A_129 : vector<128x8xf32>
      %reduce_sum3A_131 = arith.constant dense<0.000000e+00> : vector<128xf32>
      %reduce_sum3A_132 = vector.multi_reduction <add>, %mul3A_130, %reduce_sum3A_131 [1] : vector<128x8xf32> to vector<128xf32>
      %broadcast_in_dim3A_133 = vector.shape_cast %reduce_sum3A_132 : vector<128xf32> to vector<128x1xf32>
      %add3A_134 = vector.broadcast %dot_general3A_20 : vector<1x8xf32> to vector<128x8xf32>
      %add3A_135 = arith.addf %add3A_134, %get3A_121 : vector<128x8xf32>
      %add3A_136 = arith.addf %add3A_135, %get3A_124 : vector<128x8xf32>
      %mul3A_137 = arith.mulf %get3A_127, %add3A_136 : vector<128x8xf32>
      %reduce_sum3A_138 = arith.constant dense<0.000000e+00> : vector<128xf32>
      %reduce_sum3A_139 = vector.multi_reduction <add>, %mul3A_137, %reduce_sum3A_138 [1] : vector<128x8xf32> to vector<128xf32>
      %broadcast_in_dim3A_140 = vector.shape_cast %reduce_sum3A_139 : vector<128xf32> to vector<128x1xf32>
      %concatenate3A = tpu.concatenate %broadcast_in_dim3A_133, %broadcast_in_dim3A_140 in 1 : vector<128x1xf32>, vector<128x1xf32> -> vector<128x2xf32>
      %convert_element_type3A_141 = arith.fptosi %concatenate3A : vector<128x2xf32> to vector<128x2xi32>
      %swap3A_142 = arith.index_cast %mul3A_119 : i32 to index
      %swap3A_143 = arith.constant 0 : index
      %swap3A_144 = vector.load %arg4[%swap3A_142, %swap3A_143] : memref<2048x2xi32, #tpu.memory_space<vmem>>, vector<128x2xi32>
      tpu.vector_store %arg4[%swap3A_142, %swap3A_143], %convert_element_type3A_141 {strides = array<i32>} : memref<2048x2xi32, #tpu.memory_space<vmem>>, vector<128x2xi32>,
    }
    %scan3A_116 = arith.constant 16 : i32
    return
  }
}

module attributes {stable_mosaic.version = 14 : i64} {
  func.func @_ffn_body(%arg0: i32, %arg1: memref<32xi32, #tpu.memory_space<smem>>, %arg2: memref<32xi32, #tpu.memory_space<smem>>, %arg3: memref<32xi32, #tpu.memory_space<smem>>, %arg4: memref<32xi32, #tpu.memory_space<smem>>, %arg5: memref<256x1024xf32, #tpu.memory_space<vmem>>, %arg6: memref<1x1x2048xf32, #tpu.memory_space<vmem>>, %arg7: memref<1x1x1024xf32, #tpu.memory_space<vmem>>, %arg8: memref<8x1024x2048xf32, #tpu.memory_space<any>>, %arg9: memref<8x2048x1024xf32, #tpu.memory_space<any>>, %arg10: memref<256x1024xf32, #tpu.memory_space<vmem>>, %arg11: memref<2x1024x2048xf32, #tpu.memory_space<vmem>>, %arg12: memref<2x2048x1024xf32, #tpu.memory_space<vmem>>, %arg13: memref<2x!tpu.dma_semaphore, #tpu.memory_space<semaphore_mem>>) attributes {dimension_semantics = [#tpu.dimension_semantics<arbitrary>], iteration_bounds = array<i64: 24>, scalar_prefetch = 4 : i64, scratch_operands = 3 : i64, tpu.core_type = #tpu.core_type<tc>, window_params = [{transform_indices = @transform_0, window_bounds = array<i64: 256, 1024>}, {transform_indices = @transform_1, window_bounds = array<i64: 1, 1, 2048>}, {transform_indices = @transform_2, window_bounds = array<i64: 1, 1, 1024>}, {}, {}, {transform_indices = @transform_5, window_bounds = array<i64: 256, 1024>}]} {
    %get3A = arith.index_cast %arg0 : i32 to index
    %get3A_0 = memref.load %arg1[%get3A] : memref<32xi32, #tpu.memory_space<smem>>
    %sub3A = arith.constant 1 : i32
    %sub3A_1 = arith.subi %arg0, %sub3A : i32
    %max3A = arith.constant 0 : i32
    %max3A_2 = arith.maxsi %sub3A_1, %max3A : i32
    %get3A_3 = arith.index_cast %max3A_2 : i32 to index
    %get3A_4 = memref.load %arg1[%get3A_3] : memref<32xi32, #tpu.memory_space<smem>>
    %eq3A = arith.constant 0 : i32
    %eq3A_5 = arith.cmpi eq, %arg0, %eq3A : i32
    %ne3A = arith.cmpi ne, %get3A_0, %get3A_4 : i32
    %or3A = arith.ori %eq3A_5, %ne3A : i1
    %get3A_6 = arith.index_cast %arg0 : i32 to index
    %get3A_7 = memref.load %arg2[%get3A_6] : memref<32xi32, #tpu.memory_space<smem>>
    %rem3A = arith.constant 2 : i32
    %rem3A_8 = arith.remsi %get3A_7, %rem3A : i32
    %get3A_9 = arith.index_cast %arg0 : i32 to index
    %get3A_10 = memref.load %arg3[%get3A_9] : memref<32xi32, #tpu.memory_space<smem>>
    %eq3A_11 = arith.constant 0 : i32
    %eq3A_12 = arith.cmpi eq, %arg0, %eq3A_11 : i32
    %convert_element_type3A = arith.extui %eq3A_12 : i1 to i32
    %cond3A = arith.constant 0 : i32
    %cond3A_13 = arith.cmpi ne, %convert_element_type3A, %cond3A : i32
    scf.if %cond3A_13 {
      %dma_start3A = arith.constant 0 : i32
      %dma_start3A_58 = tpu.memref_slice %arg13[%dma_start3A] : memref<2x!tpu.dma_semaphore, #tpu.memory_space<semaphore_mem>> -> memref<1x!tpu.dma_semaphore, #tpu.memory_space<semaphore_mem>>
      %dma_start3A_59 = tpu.memref_squeeze %dma_start3A_58 : memref<1x!tpu.dma_semaphore, #tpu.memory_space<semaphore_mem>> -> memref<!tpu.dma_semaphore, #tpu.memory_space<semaphore_mem>>
      %dma_start3A_60 = arith.constant 0 : i32
      %dma_start3A_61 = arith.constant 0 : i32
      %dma_start3A_62 = arith.constant 0 : i32
      %dma_start3A_63 = tpu.memref_slice %arg11[%dma_start3A_60, %dma_start3A_61, %dma_start3A_62] : memref<2x1024x2048xf32, #tpu.memory_space<vmem>> -> memref<1x512x2048xf32, #tpu.memory_space<vmem>>
      %dma_start3A_64 = arith.constant 0 : i32
      %dma_start3A_65 = arith.constant 0 : i32
      %dma_start3A_66 = tpu.memref_slice %arg8[%get3A_0, %dma_start3A_64, %dma_start3A_65] : memref<8x1024x2048xf32, #tpu.memory_space<any>> -> memref<1x512x2048xf32, #tpu.memory_space<any>>
      tpu.enqueue_dma source(%dma_start3A_66 : memref<1x512x2048xf32, #tpu.memory_space<any>>) target(%dma_start3A_63 : memref<1x512x2048xf32, #tpu.memory_space<vmem>>) target_semaphore(%dma_start3A_59 : memref<!tpu.dma_semaphore, #tpu.memory_space<semaphore_mem>>)
      %dma_start3A_67 = arith.constant 0 : i32
      %dma_start3A_68 = tpu.memref_slice %arg13[%dma_start3A_67] : memref<2x!tpu.dma_semaphore, #tpu.memory_space<semaphore_mem>> -> memref<1x!tpu.dma_semaphore, #tpu.memory_space<semaphore_mem>>
      %dma_start3A_69 = tpu.memref_squeeze %dma_start3A_68 : memref<1x!tpu.dma_semaphore, #tpu.memory_space<semaphore_mem>> -> memref<!tpu.dma_semaphore, #tpu.memory_space<semaphore_mem>>
      %dma_start3A_70 = arith.constant 0 : i32
      %dma_start3A_71 = arith.constant 512 : i32
      %dma_start3A_72 = arith.constant 0 : i32
      %dma_start3A_73 = tpu.memref_slice %arg11[%dma_start3A_70, %dma_start3A_71, %dma_start3A_72] : memref<2x1024x2048xf32, #tpu.memory_space<vmem>> -> memref<1x512x2048xf32, #tpu.memory_space<vmem>>
      %dma_start3A_74 = arith.constant 512 : i32
      %dma_start3A_75 = arith.constant 0 : i32
      %dma_start3A_76 = tpu.memref_slice %arg8[%get3A_0, %dma_start3A_74, %dma_start3A_75] : memref<8x1024x2048xf32, #tpu.memory_space<any>> -> memref<1x512x2048xf32, #tpu.memory_space<any>>
      tpu.enqueue_dma source(%dma_start3A_76 : memref<1x512x2048xf32, #tpu.memory_space<any>>) target(%dma_start3A_73 : memref<1x512x2048xf32, #tpu.memory_space<vmem>>) target_semaphore(%dma_start3A_69 : memref<!tpu.dma_semaphore, #tpu.memory_space<semaphore_mem>>)
      %dma_start3A_77 = arith.constant 0 : i32
      %dma_start3A_78 = tpu.memref_slice %arg13[%dma_start3A_77] : memref<2x!tpu.dma_semaphore, #tpu.memory_space<semaphore_mem>> -> memref<1x!tpu.dma_semaphore, #tpu.memory_space<semaphore_mem>>
      %dma_start3A_79 = tpu.memref_squeeze %dma_start3A_78 : memref<1x!tpu.dma_semaphore, #tpu.memory_space<semaphore_mem>> -> memref<!tpu.dma_semaphore, #tpu.memory_space<semaphore_mem>>
      %dma_start3A_80 = arith.constant 0 : i32
      %dma_start3A_81 = arith.constant 0 : i32
      %dma_start3A_82 = arith.constant 0 : i32
      %dma_start3A_83 = tpu.memref_slice %arg12[%dma_start3A_80, %dma_start3A_81, %dma_start3A_82] : memref<2x2048x1024xf32, #tpu.memory_space<vmem>> -> memref<1x1024x1024xf32, #tpu.memory_space<vmem>>
      %dma_start3A_84 = arith.constant 0 : i32
      %dma_start3A_85 = arith.constant 0 : i32
      %dma_start3A_86 = tpu.memref_slice %arg9[%get3A_0, %dma_start3A_84, %dma_start3A_85] : memref<8x2048x1024xf32, #tpu.memory_space<any>> -> memref<1x1024x1024xf32, #tpu.memory_space<any>>
      tpu.enqueue_dma source(%dma_start3A_86 : memref<1x1024x1024xf32, #tpu.memory_space<any>>) target(%dma_start3A_83 : memref<1x1024x1024xf32, #tpu.memory_space<vmem>>) target_semaphore(%dma_start3A_79 : memref<!tpu.dma_semaphore, #tpu.memory_space<semaphore_mem>>)
      %dma_start3A_87 = arith.constant 0 : i32
      %dma_start3A_88 = tpu.memref_slice %arg13[%dma_start3A_87] : memref<2x!tpu.dma_semaphore, #tpu.memory_space<semaphore_mem>> -> memref<1x!tpu.dma_semaphore, #tpu.memory_space<semaphore_mem>>
      %dma_start3A_89 = tpu.memref_squeeze %dma_start3A_88 : memref<1x!tpu.dma_semaphore, #tpu.memory_space<semaphore_mem>> -> memref<!tpu.dma_semaphore, #tpu.memory_space<semaphore_mem>>
      %dma_start3A_90 = arith.constant 0 : i32
      %dma_start3A_91 = arith.constant 1024 : i32
      %dma_start3A_92 = arith.constant 0 : i32
      %dma_start3A_93 = tpu.memref_slice %arg12[%dma_start3A_90, %dma_start3A_91, %dma_start3A_92] : memref<2x2048x1024xf32, #tpu.memory_space<vmem>> -> memref<1x1024x1024xf32, #tpu.memory_space<vmem>>
      %dma_start3A_94 = arith.constant 1024 : i32
      %dma_start3A_95 = arith.constant 0 : i32
      %dma_start3A_96 = tpu.memref_slice %arg9[%get3A_0, %dma_start3A_94, %dma_start3A_95] : memref<8x2048x1024xf32, #tpu.memory_space<any>> -> memref<1x1024x1024xf32, #tpu.memory_space<any>>
      tpu.enqueue_dma source(%dma_start3A_96 : memref<1x1024x1024xf32, #tpu.memory_space<any>>) target(%dma_start3A_93 : memref<1x1024x1024xf32, #tpu.memory_space<vmem>>) target_semaphore(%dma_start3A_89 : memref<!tpu.dma_semaphore, #tpu.memory_space<semaphore_mem>>)
      %ge3A_97 = arith.constant 0 : i32
      %ge3A_98 = arith.cmpi sge, %get3A_10, %ge3A_97 : i32
      %convert_element_type3A_99 = arith.extui %ge3A_98 : i1 to i32
      %cond3A_100 = arith.constant 0 : i32
      %cond3A_101 = arith.cmpi ne, %convert_element_type3A_99, %cond3A_100 : i32
      scf.if %cond3A_101 {
        %dma_start3A_102 = arith.constant 1 : i32
        %dma_start3A_103 = tpu.memref_slice %arg13[%dma_start3A_102] : memref<2x!tpu.dma_semaphore, #tpu.memory_space<semaphore_mem>> -> memref<1x!tpu.dma_semaphore, #tpu.memory_space<semaphore_mem>>
        %dma_start3A_104 = tpu.memref_squeeze %dma_start3A_103 : memref<1x!tpu.dma_semaphore, #tpu.memory_space<semaphore_mem>> -> memref<!tpu.dma_semaphore, #tpu.memory_space<semaphore_mem>>
        %dma_start3A_105 = arith.constant 1 : i32
        %dma_start3A_106 = arith.constant 0 : i32
        %dma_start3A_107 = arith.constant 0 : i32
        %dma_start3A_108 = tpu.memref_slice %arg11[%dma_start3A_105, %dma_start3A_106, %dma_start3A_107] : memref<2x1024x2048xf32, #tpu.memory_space<vmem>> -> memref<1x512x2048xf32, #tpu.memory_space<vmem>>
        %dma_start3A_109 = arith.constant 0 : i32
        %dma_start3A_110 = arith.constant 0 : i32
        %dma_start3A_111 = tpu.memref_slice %arg8[%get3A_10, %dma_start3A_109, %dma_start3A_110] : memref<8x1024x2048xf32, #tpu.memory_space<any>> -> memref<1x512x2048xf32, #tpu.memory_space<any>>
        tpu.enqueue_dma source(%dma_start3A_111 : memref<1x512x2048xf32, #tpu.memory_space<any>>) target(%dma_start3A_108 : memref<1x512x2048xf32, #tpu.memory_space<vmem>>) target_semaphore(%dma_start3A_104 : memref<!tpu.dma_semaphore, #tpu.memory_space<semaphore_mem>>)
        %dma_start3A_112 = arith.constant 1 : i32
        %dma_start3A_113 = tpu.memref_slice %arg13[%dma_start3A_112] : memref<2x!tpu.dma_semaphore, #tpu.memory_space<semaphore_mem>> -> memref<1x!tpu.dma_semaphore, #tpu.memory_space<semaphore_mem>>
        %dma_start3A_114 = tpu.memref_squeeze %dma_start3A_113 : memref<1x!tpu.dma_semaphore, #tpu.memory_space<semaphore_mem>> -> memref<!tpu.dma_semaphore, #tpu.memory_space<semaphore_mem>>
        %dma_start3A_115 = arith.constant 1 : i32
        %dma_start3A_116 = arith.constant 512 : i32
        %dma_start3A_117 = arith.constant 0 : i32
        %dma_start3A_118 = tpu.memref_slice %arg11[%dma_start3A_115, %dma_start3A_116, %dma_start3A_117] : memref<2x1024x2048xf32, #tpu.memory_space<vmem>> -> memref<1x512x2048xf32, #tpu.memory_space<vmem>>
        %dma_start3A_119 = arith.constant 512 : i32
        %dma_start3A_120 = arith.constant 0 : i32
        %dma_start3A_121 = tpu.memref_slice %arg8[%get3A_10, %dma_start3A_119, %dma_start3A_120] : memref<8x1024x2048xf32, #tpu.memory_space<any>> -> memref<1x512x2048xf32, #tpu.memory_space<any>>
        tpu.enqueue_dma source(%dma_start3A_121 : memref<1x512x2048xf32, #tpu.memory_space<any>>) target(%dma_start3A_118 : memref<1x512x2048xf32, #tpu.memory_space<vmem>>) target_semaphore(%dma_start3A_114 : memref<!tpu.dma_semaphore, #tpu.memory_space<semaphore_mem>>)
        %dma_start3A_122 = arith.constant 1 : i32
        %dma_start3A_123 = tpu.memref_slice %arg13[%dma_start3A_122] : memref<2x!tpu.dma_semaphore, #tpu.memory_space<semaphore_mem>> -> memref<1x!tpu.dma_semaphore, #tpu.memory_space<semaphore_mem>>
        %dma_start3A_124 = tpu.memref_squeeze %dma_start3A_123 : memref<1x!tpu.dma_semaphore, #tpu.memory_space<semaphore_mem>> -> memref<!tpu.dma_semaphore, #tpu.memory_space<semaphore_mem>>
        %dma_start3A_125 = arith.constant 1 : i32
        %dma_start3A_126 = arith.constant 0 : i32
        %dma_start3A_127 = arith.constant 0 : i32
        %dma_start3A_128 = tpu.memref_slice %arg12[%dma_start3A_125, %dma_start3A_126, %dma_start3A_127] : memref<2x2048x1024xf32, #tpu.memory_space<vmem>> -> memref<1x1024x1024xf32, #tpu.memory_space<vmem>>
        %dma_start3A_129 = arith.constant 0 : i32
        %dma_start3A_130 = arith.constant 0 : i32
        %dma_start3A_131 = tpu.memref_slice %arg9[%get3A_10, %dma_start3A_129, %dma_start3A_130] : memref<8x2048x1024xf32, #tpu.memory_space<any>> -> memref<1x1024x1024xf32, #tpu.memory_space<any>>
        tpu.enqueue_dma source(%dma_start3A_131 : memref<1x1024x1024xf32, #tpu.memory_space<any>>) target(%dma_start3A_128 : memref<1x1024x1024xf32, #tpu.memory_space<vmem>>) target_semaphore(%dma_start3A_124 : memref<!tpu.dma_semaphore, #tpu.memory_space<semaphore_mem>>)
        %dma_start3A_132 = arith.constant 1 : i32
        %dma_start3A_133 = tpu.memref_slice %arg13[%dma_start3A_132] : memref<2x!tpu.dma_semaphore, #tpu.memory_space<semaphore_mem>> -> memref<1x!tpu.dma_semaphore, #tpu.memory_space<semaphore_mem>>
        %dma_start3A_134 = tpu.memref_squeeze %dma_start3A_133 : memref<1x!tpu.dma_semaphore, #tpu.memory_space<semaphore_mem>> -> memref<!tpu.dma_semaphore, #tpu.memory_space<semaphore_mem>>
        %dma_start3A_135 = arith.constant 1 : i32
        %dma_start3A_136 = arith.constant 1024 : i32
        %dma_start3A_137 = arith.constant 0 : i32
        %dma_start3A_138 = tpu.memref_slice %arg12[%dma_start3A_135, %dma_start3A_136, %dma_start3A_137] : memref<2x2048x1024xf32, #tpu.memory_space<vmem>> -> memref<1x1024x1024xf32, #tpu.memory_space<vmem>>
        %dma_start3A_139 = arith.constant 1024 : i32
        %dma_start3A_140 = arith.constant 0 : i32
        %dma_start3A_141 = tpu.memref_slice %arg9[%get3A_10, %dma_start3A_139, %dma_start3A_140] : memref<8x2048x1024xf32, #tpu.memory_space<any>> -> memref<1x1024x1024xf32, #tpu.memory_space<any>>
        tpu.enqueue_dma source(%dma_start3A_141 : memref<1x1024x1024xf32, #tpu.memory_space<any>>) target(%dma_start3A_138 : memref<1x1024x1024xf32, #tpu.memory_space<vmem>>) target_semaphore(%dma_start3A_134 : memref<!tpu.dma_semaphore, #tpu.memory_space<semaphore_mem>>)
      } else {
      }
    } else {
    }
    %gt3A = arith.constant 0 : i32
    %gt3A_14 = arith.cmpi sgt, %arg0, %gt3A : i32
    %and3A = arith.andi %gt3A_14, %or3A : i1
    %ge3A = arith.constant 0 : i32
    %ge3A_15 = arith.cmpi sge, %get3A_10, %ge3A : i32
    %and3A_16 = arith.andi %and3A, %ge3A_15 : i1
    %convert_element_type3A_17 = arith.extui %and3A_16 : i1 to i32
    %cond3A_18 = arith.constant 0 : i32
    %cond3A_19 = arith.cmpi ne, %convert_element_type3A_17, %cond3A_18 : i32
    scf.if %cond3A_19 {
      %sub3A_58 = arith.constant 1 : i32
      %sub3A_59 = arith.subi %sub3A_58, %rem3A_8 : i32
      %dma_start3A = tpu.memref_slice %arg13[%sub3A_59] : memref<2x!tpu.dma_semaphore, #tpu.memory_space<semaphore_mem>> -> memref<1x!tpu.dma_semaphore, #tpu.memory_space<semaphore_mem>>
      %dma_start3A_60 = tpu.memref_squeeze %dma_start3A : memref<1x!tpu.dma_semaphore, #tpu.memory_space<semaphore_mem>> -> memref<!tpu.dma_semaphore, #tpu.memory_space<semaphore_mem>>
      %dma_start3A_61 = arith.constant 0 : i32
      %dma_start3A_62 = arith.constant 0 : i32
      %dma_start3A_63 = tpu.memref_slice %arg11[%sub3A_59, %dma_start3A_61, %dma_start3A_62] : memref<2x1024x2048xf32, #tpu.memory_space<vmem>> -> memref<1x512x2048xf32, #tpu.memory_space<vmem>>
      %dma_start3A_64 = arith.constant 0 : i32
      %dma_start3A_65 = arith.constant 0 : i32
      %dma_start3A_66 = tpu.memref_slice %arg8[%get3A_10, %dma_start3A_64, %dma_start3A_65] : memref<8x1024x2048xf32, #tpu.memory_space<any>> -> memref<1x512x2048xf32, #tpu.memory_space<any>>
      tpu.enqueue_dma source(%dma_start3A_66 : memref<1x512x2048xf32, #tpu.memory_space<any>>) target(%dma_start3A_63 : memref<1x512x2048xf32, #tpu.memory_space<vmem>>) target_semaphore(%dma_start3A_60 : memref<!tpu.dma_semaphore, #tpu.memory_space<semaphore_mem>>)
      %dma_start3A_67 = tpu.memref_slice %arg13[%sub3A_59] : memref<2x!tpu.dma_semaphore, #tpu.memory_space<semaphore_mem>> -> memref<1x!tpu.dma_semaphore, #tpu.memory_space<semaphore_mem>>
      %dma_start3A_68 = tpu.memref_squeeze %dma_start3A_67 : memref<1x!tpu.dma_semaphore, #tpu.memory_space<semaphore_mem>> -> memref<!tpu.dma_semaphore, #tpu.memory_space<semaphore_mem>>
      %dma_start3A_69 = arith.constant 512 : i32
      %dma_start3A_70 = arith.constant 0 : i32
      %dma_start3A_71 = tpu.memref_slice %arg11[%sub3A_59, %dma_start3A_69, %dma_start3A_70] : memref<2x1024x2048xf32, #tpu.memory_space<vmem>> -> memref<1x512x2048xf32, #tpu.memory_space<vmem>>
      %dma_start3A_72 = arith.constant 512 : i32
      %dma_start3A_73 = arith.constant 0 : i32
      %dma_start3A_74 = tpu.memref_slice %arg8[%get3A_10, %dma_start3A_72, %dma_start3A_73] : memref<8x1024x2048xf32, #tpu.memory_space<any>> -> memref<1x512x2048xf32, #tpu.memory_space<any>>
      tpu.enqueue_dma source(%dma_start3A_74 : memref<1x512x2048xf32, #tpu.memory_space<any>>) target(%dma_start3A_71 : memref<1x512x2048xf32, #tpu.memory_space<vmem>>) target_semaphore(%dma_start3A_68 : memref<!tpu.dma_semaphore, #tpu.memory_space<semaphore_mem>>)
      %dma_start3A_75 = tpu.memref_slice %arg13[%sub3A_59] : memref<2x!tpu.dma_semaphore, #tpu.memory_space<semaphore_mem>> -> memref<1x!tpu.dma_semaphore, #tpu.memory_space<semaphore_mem>>
      %dma_start3A_76 = tpu.memref_squeeze %dma_start3A_75 : memref<1x!tpu.dma_semaphore, #tpu.memory_space<semaphore_mem>> -> memref<!tpu.dma_semaphore, #tpu.memory_space<semaphore_mem>>
      %dma_start3A_77 = arith.constant 0 : i32
      %dma_start3A_78 = arith.constant 0 : i32
      %dma_start3A_79 = tpu.memref_slice %arg12[%sub3A_59, %dma_start3A_77, %dma_start3A_78] : memref<2x2048x1024xf32, #tpu.memory_space<vmem>> -> memref<1x1024x1024xf32, #tpu.memory_space<vmem>>
      %dma_start3A_80 = arith.constant 0 : i32
      %dma_start3A_81 = arith.constant 0 : i32
      %dma_start3A_82 = tpu.memref_slice %arg9[%get3A_10, %dma_start3A_80, %dma_start3A_81] : memref<8x2048x1024xf32, #tpu.memory_space<any>> -> memref<1x1024x1024xf32, #tpu.memory_space<any>>
      tpu.enqueue_dma source(%dma_start3A_82 : memref<1x1024x1024xf32, #tpu.memory_space<any>>) target(%dma_start3A_79 : memref<1x1024x1024xf32, #tpu.memory_space<vmem>>) target_semaphore(%dma_start3A_76 : memref<!tpu.dma_semaphore, #tpu.memory_space<semaphore_mem>>)
      %dma_start3A_83 = tpu.memref_slice %arg13[%sub3A_59] : memref<2x!tpu.dma_semaphore, #tpu.memory_space<semaphore_mem>> -> memref<1x!tpu.dma_semaphore, #tpu.memory_space<semaphore_mem>>
      %dma_start3A_84 = tpu.memref_squeeze %dma_start3A_83 : memref<1x!tpu.dma_semaphore, #tpu.memory_space<semaphore_mem>> -> memref<!tpu.dma_semaphore, #tpu.memory_space<semaphore_mem>>
      %dma_start3A_85 = arith.constant 1024 : i32
      %dma_start3A_86 = arith.constant 0 : i32
      %dma_start3A_87 = tpu.memref_slice %arg12[%sub3A_59, %dma_start3A_85, %dma_start3A_86] : memref<2x2048x1024xf32, #tpu.memory_space<vmem>> -> memref<1x1024x1024xf32, #tpu.memory_space<vmem>>
      %dma_start3A_88 = arith.constant 1024 : i32
      %dma_start3A_89 = arith.constant 0 : i32
      %dma_start3A_90 = tpu.memref_slice %arg9[%get3A_10, %dma_start3A_88, %dma_start3A_89] : memref<8x2048x1024xf32, #tpu.memory_space<any>> -> memref<1x1024x1024xf32, #tpu.memory_space<any>>
      tpu.enqueue_dma source(%dma_start3A_90 : memref<1x1024x1024xf32, #tpu.memory_space<any>>) target(%dma_start3A_87 : memref<1x1024x1024xf32, #tpu.memory_space<vmem>>) target_semaphore(%dma_start3A_84 : memref<!tpu.dma_semaphore, #tpu.memory_space<semaphore_mem>>)
    } else {
    }
    %convert_element_type3A_20 = arith.extui %or3A : i1 to i32
    %cond3A_21 = arith.constant 0 : i32
    %cond3A_22 = arith.cmpi ne, %convert_element_type3A_20, %cond3A_21 : i32
    scf.if %cond3A_22 {
      %dma_wait3A = tpu.memref_slice %arg13[%rem3A_8] : memref<2x!tpu.dma_semaphore, #tpu.memory_space<semaphore_mem>> -> memref<1x!tpu.dma_semaphore, #tpu.memory_space<semaphore_mem>>
      %dma_wait3A_58 = tpu.memref_squeeze %dma_wait3A : memref<1x!tpu.dma_semaphore, #tpu.memory_space<semaphore_mem>> -> memref<!tpu.dma_semaphore, #tpu.memory_space<semaphore_mem>>
      %dma_wait3A_59 = arith.constant 0 : i32
      %dma_wait3A_60 = arith.constant 0 : i32
      %dma_wait3A_61 = tpu.memref_slice %arg11[%rem3A_8, %dma_wait3A_59, %dma_wait3A_60] : memref<2x1024x2048xf32, #tpu.memory_space<vmem>> -> memref<1x512x2048xf32, #tpu.memory_space<vmem>>
      %dma_wait3A_62 = arith.constant 0 : i32
      %dma_wait3A_63 = arith.constant 0 : i32
      %dma_wait3A_64 = tpu.memref_slice %arg8[%get3A_0, %dma_wait3A_62, %dma_wait3A_63] : memref<8x1024x2048xf32, #tpu.memory_space<any>> -> memref<1x512x2048xf32, #tpu.memory_space<any>>
      tpu.wait_dma2 semaphore(%dma_wait3A_58 : memref<!tpu.dma_semaphore, #tpu.memory_space<semaphore_mem>>) src(%dma_wait3A_64 : memref<1x512x2048xf32, #tpu.memory_space<any>>) dst(%dma_wait3A_61 : memref<1x512x2048xf32, #tpu.memory_space<vmem>>)
      %dma_wait3A_65 = tpu.memref_slice %arg13[%rem3A_8] : memref<2x!tpu.dma_semaphore, #tpu.memory_space<semaphore_mem>> -> memref<1x!tpu.dma_semaphore, #tpu.memory_space<semaphore_mem>>
      %dma_wait3A_66 = tpu.memref_squeeze %dma_wait3A_65 : memref<1x!tpu.dma_semaphore, #tpu.memory_space<semaphore_mem>> -> memref<!tpu.dma_semaphore, #tpu.memory_space<semaphore_mem>>
      %dma_wait3A_67 = arith.constant 512 : i32
      %dma_wait3A_68 = arith.constant 0 : i32
      %dma_wait3A_69 = tpu.memref_slice %arg11[%rem3A_8, %dma_wait3A_67, %dma_wait3A_68] : memref<2x1024x2048xf32, #tpu.memory_space<vmem>> -> memref<1x512x2048xf32, #tpu.memory_space<vmem>>
      %dma_wait3A_70 = arith.constant 512 : i32
      %dma_wait3A_71 = arith.constant 0 : i32
      %dma_wait3A_72 = tpu.memref_slice %arg8[%get3A_0, %dma_wait3A_70, %dma_wait3A_71] : memref<8x1024x2048xf32, #tpu.memory_space<any>> -> memref<1x512x2048xf32, #tpu.memory_space<any>>
      tpu.wait_dma2 semaphore(%dma_wait3A_66 : memref<!tpu.dma_semaphore, #tpu.memory_space<semaphore_mem>>) src(%dma_wait3A_72 : memref<1x512x2048xf32, #tpu.memory_space<any>>) dst(%dma_wait3A_69 : memref<1x512x2048xf32, #tpu.memory_space<vmem>>)
      %dma_wait3A_73 = tpu.memref_slice %arg13[%rem3A_8] : memref<2x!tpu.dma_semaphore, #tpu.memory_space<semaphore_mem>> -> memref<1x!tpu.dma_semaphore, #tpu.memory_space<semaphore_mem>>
      %dma_wait3A_74 = tpu.memref_squeeze %dma_wait3A_73 : memref<1x!tpu.dma_semaphore, #tpu.memory_space<semaphore_mem>> -> memref<!tpu.dma_semaphore, #tpu.memory_space<semaphore_mem>>
      %dma_wait3A_75 = arith.constant 0 : i32
      %dma_wait3A_76 = arith.constant 0 : i32
      %dma_wait3A_77 = tpu.memref_slice %arg12[%rem3A_8, %dma_wait3A_75, %dma_wait3A_76] : memref<2x2048x1024xf32, #tpu.memory_space<vmem>> -> memref<1x1024x1024xf32, #tpu.memory_space<vmem>>
      %dma_wait3A_78 = arith.constant 0 : i32
      %dma_wait3A_79 = arith.constant 0 : i32
      %dma_wait3A_80 = tpu.memref_slice %arg9[%get3A_0, %dma_wait3A_78, %dma_wait3A_79] : memref<8x2048x1024xf32, #tpu.memory_space<any>> -> memref<1x1024x1024xf32, #tpu.memory_space<any>>
      tpu.wait_dma2 semaphore(%dma_wait3A_74 : memref<!tpu.dma_semaphore, #tpu.memory_space<semaphore_mem>>) src(%dma_wait3A_80 : memref<1x1024x1024xf32, #tpu.memory_space<any>>) dst(%dma_wait3A_77 : memref<1x1024x1024xf32, #tpu.memory_space<vmem>>)
      %dma_wait3A_81 = tpu.memref_slice %arg13[%rem3A_8] : memref<2x!tpu.dma_semaphore, #tpu.memory_space<semaphore_mem>> -> memref<1x!tpu.dma_semaphore, #tpu.memory_space<semaphore_mem>>
      %dma_wait3A_82 = tpu.memref_squeeze %dma_wait3A_81 : memref<1x!tpu.dma_semaphore, #tpu.memory_space<semaphore_mem>> -> memref<!tpu.dma_semaphore, #tpu.memory_space<semaphore_mem>>
      %dma_wait3A_83 = arith.constant 1024 : i32
      %dma_wait3A_84 = arith.constant 0 : i32
      %dma_wait3A_85 = tpu.memref_slice %arg12[%rem3A_8, %dma_wait3A_83, %dma_wait3A_84] : memref<2x2048x1024xf32, #tpu.memory_space<vmem>> -> memref<1x1024x1024xf32, #tpu.memory_space<vmem>>
      %dma_wait3A_86 = arith.constant 1024 : i32
      %dma_wait3A_87 = arith.constant 0 : i32
      %dma_wait3A_88 = tpu.memref_slice %arg9[%get3A_0, %dma_wait3A_86, %dma_wait3A_87] : memref<8x2048x1024xf32, #tpu.memory_space<any>> -> memref<1x1024x1024xf32, #tpu.memory_space<any>>
      tpu.wait_dma2 semaphore(%dma_wait3A_82 : memref<!tpu.dma_semaphore, #tpu.memory_space<semaphore_mem>>) src(%dma_wait3A_88 : memref<1x1024x1024xf32, #tpu.memory_space<any>>) dst(%dma_wait3A_85 : memref<1x1024x1024xf32, #tpu.memory_space<vmem>>)
    } else {
    }
    %get3A_23 = arith.constant 0 : index
    %get3A_24 = arith.constant 0 : index
    %get3A_25 = vector.load %arg5[%get3A_23, %get3A_24] : memref<256x1024xf32, #tpu.memory_space<vmem>>, vector<256x1024xf32>
    %get3A_26 = arith.index_cast %rem3A_8 : i32 to index
    %get3A_27 = arith.constant 0 : index
    %get3A_28 = arith.constant 0 : index
    %get3A_29 = vector.load %arg11[%get3A_26, %get3A_27, %get3A_28] : memref<2x1024x2048xf32, #tpu.memory_space<vmem>>, vector<1x1024x2048xf32>
    %get3A_30 = vector.shape_cast %get3A_29 : vector<1x1024x2048xf32> to vector<1024x2048xf32>
    %dot_general3A = arith.constant dense<0.000000e+00> : vector<256x2048xf32>
    %dot_general3A_31 = tpu.matmul %get3A_25, %get3A_30, %dot_general3A {dimension_numbers = #tpu.dot_dimension_numbers<[1], [0], [0], [1], [0, 0, 1, 1], [], []>, transpose_lhs_hint = false} : vector<256x1024xf32>, vector<1024x2048xf32>, vector<256x2048xf32> -> vector<256x2048xf32>
    %get3A_32 = arith.constant 0 : index
    %get3A_33 = arith.constant 0 : index
    %get3A_34 = arith.constant 0 : index
    %get3A_35 = vector.load %arg6[%get3A_32, %get3A_33, %get3A_34] : memref<1x1x2048xf32, #tpu.memory_space<vmem>>, vector<1x1x2048xf32>
    %get3A_36 = vector.shape_cast %get3A_35 : vector<1x1x2048xf32> to vector<2048xf32>
    %broadcast_in_dim3A = vector.shape_cast %get3A_36 : vector<2048xf32> to vector<1x2048xf32>
    %add3A = vector.broadcast %broadcast_in_dim3A : vector<1x2048xf32> to vector<256x2048xf32>
    %add3A_37 = arith.addf %dot_general3A_31, %add3A : vector<256x2048xf32>
    %max3A_38 = arith.constant 0.000000e+00 : f32
    %max3A_39 = vector.broadcast %max3A_38 : f32 to vector<256x2048xf32>
    %max3A_40 = arith.maximumf %add3A_37, %max3A_39 : vector<256x2048xf32>
    %get3A_41 = arith.index_cast %rem3A_8 : i32 to index
    %get3A_42 = arith.constant 0 : index
    %get3A_43 = arith.constant 0 : index
    %get3A_44 = vector.load %arg12[%get3A_41, %get3A_42, %get3A_43] : memref<2x2048x1024xf32, #tpu.memory_space<vmem>>, vector<1x2048x1024xf32>
    %get3A_45 = vector.shape_cast %get3A_44 : vector<1x2048x1024xf32> to vector<2048x1024xf32>
    %dot_general3A_46 = arith.constant dense<0.000000e+00> : vector<256x1024xf32>
    %dot_general3A_47 = tpu.matmul %max3A_40, %get3A_45, %dot_general3A_46 {dimension_numbers = #tpu.dot_dimension_numbers<[1], [0], [0], [1], [0, 0, 1, 1], [], []>, transpose_lhs_hint = false} : vector<256x2048xf32>, vector<2048x1024xf32>, vector<256x1024xf32> -> vector<256x1024xf32>
    %get3A_48 = arith.constant 0 : index
    %get3A_49 = arith.constant 0 : index
    %get3A_50 = arith.constant 0 : index
    %get3A_51 = vector.load %arg7[%get3A_48, %get3A_49, %get3A_50] : memref<1x1x1024xf32, #tpu.memory_space<vmem>>, vector<1x1x1024xf32>
    %get3A_52 = vector.shape_cast %get3A_51 : vector<1x1x1024xf32> to vector<1024xf32>
    %broadcast_in_dim3A_53 = vector.shape_cast %get3A_52 : vector<1024xf32> to vector<1x1024xf32>
    %add3A_54 = vector.broadcast %broadcast_in_dim3A_53 : vector<1x1024xf32> to vector<256x1024xf32>
    %add3A_55 = arith.addf %dot_general3A_47, %add3A_54 : vector<256x1024xf32>
    %swap3A = arith.constant 0 : index
    %swap3A_56 = arith.constant 0 : index
    %swap3A_57 = vector.load %arg10[%swap3A, %swap3A_56] : memref<256x1024xf32, #tpu.memory_space<vmem>>, vector<256x1024xf32>
    tpu.vector_store %arg10[%swap3A, %swap3A_56], %add3A_55 {strides = array<i32>} : memref<256x1024xf32, #tpu.memory_space<vmem>>, vector<256x1024xf32>,
    return
  }
  func.func @transform_0(%arg0: i32, %arg1: memref<32xi32, #tpu.memory_space<smem>>, %arg2: memref<32xi32, #tpu.memory_space<smem>>, %arg3: memref<32xi32, #tpu.memory_space<smem>>, %arg4: memref<32xi32, #tpu.memory_space<smem>>) -> (i32, i32) {
    %c0_i32 = arith.constant 0 : i32
    %c0_i32_0 = arith.constant 0 : i32
    return %arg0, %c0_i32 : i32, i32
  }
  func.func @transform_1(%arg0: i32, %arg1: memref<32xi32, #tpu.memory_space<smem>>, %arg2: memref<32xi32, #tpu.memory_space<smem>>, %arg3: memref<32xi32, #tpu.memory_space<smem>>, %arg4: memref<32xi32, #tpu.memory_space<smem>>) -> (i32, i32, i32) {
    %get3A = arith.index_cast %arg0 : i32 to index
    %get3A_0 = memref.load %arg1[%get3A] : memref<32xi32, #tpu.memory_space<smem>>
    %c0_i32 = arith.constant 0 : i32
    %c0_i32_1 = arith.constant 0 : i32
    %c0_i32_2 = arith.constant 0 : i32
    return %get3A_0, %c0_i32, %c0_i32_1 : i32, i32, i32
  }
  func.func @transform_2(%arg0: i32, %arg1: memref<32xi32, #tpu.memory_space<smem>>, %arg2: memref<32xi32, #tpu.memory_space<smem>>, %arg3: memref<32xi32, #tpu.memory_space<smem>>, %arg4: memref<32xi32, #tpu.memory_space<smem>>) -> (i32, i32, i32) {
    %get3A = arith.index_cast %arg0 : i32 to index
    %get3A_0 = memref.load %arg1[%get3A] : memref<32xi32, #tpu.memory_space<smem>>
    %c0_i32 = arith.constant 0 : i32
    %c0_i32_1 = arith.constant 0 : i32
    %c0_i32_2 = arith.constant 0 : i32
    return %get3A_0, %c0_i32, %c0_i32_1 : i32, i32, i32
  }
  func.func @transform_5(%arg0: i32, %arg1: memref<32xi32, #tpu.memory_space<smem>>, %arg2: memref<32xi32, #tpu.memory_space<smem>>, %arg3: memref<32xi32, #tpu.memory_space<smem>>, %arg4: memref<32xi32, #tpu.memory_space<smem>>) -> (i32, i32) {
    %c0_i32 = arith.constant 0 : i32
    %c0_i32_0 = arith.constant 0 : i32
    return %arg0, %c0_i32 : i32, i32
  }
}

module attributes {stable_mosaic.version = 14 : i64} {
  func.func @_combine_body(%arg0: i32, %arg1: memref<256x1024xf32, #tpu.memory_space<vmem>>, %arg2: memref<256x1024xf32, #tpu.memory_space<vmem>>, %arg3: memref<256x1024xf32, #tpu.memory_space<vmem>>, %arg4: memref<256x2xf32, #tpu.memory_space<vmem>>, %arg5: memref<1x1024xf32, #tpu.memory_space<vmem>>, %arg6: memref<1x1024xf32, #tpu.memory_space<vmem>>, %arg7: memref<256x1024xf32, #tpu.memory_space<vmem>>) attributes {dimension_semantics = [#tpu.dimension_semantics<arbitrary>], iteration_bounds = array<i64: 8>, scalar_prefetch = 0 : i64, scratch_operands = 0 : i64, tpu.core_type = #tpu.core_type<tc>, window_params = [{transform_indices = @transform_0, window_bounds = array<i64: 256, 1024>}, {transform_indices = @transform_1, window_bounds = array<i64: 256, 1024>}, {transform_indices = @transform_2, window_bounds = array<i64: 256, 1024>}, {transform_indices = @transform_3, window_bounds = array<i64: 256, 2>}, {pipeline_mode = #tpu.pipeline_mode<synchronous>, transform_indices = @transform_4, window_bounds = array<i64: 1, 1024>}, {pipeline_mode = #tpu.pipeline_mode<synchronous>, transform_indices = @transform_5, window_bounds = array<i64: 1, 1024>}, {transform_indices = @transform_6, window_bounds = array<i64: 256, 1024>}]} {
    %get3A = arith.constant 0 : index
    %get3A_0 = arith.constant 0 : index
    %get3A_1 = vector.load %arg4[%get3A, %get3A_0] : memref<256x2xf32, #tpu.memory_space<vmem>>, vector<256x1xf32>
    %get3A_2 = arith.constant 0 : index
    %get3A_3 = arith.constant 1 : index
    %get3A_4 = vector.load %arg4[%get3A_2, %get3A_3] : memref<256x2xf32, #tpu.memory_space<vmem>>, vector<256x1xf32>
    %get3A_5 = arith.constant 0 : index
    %get3A_6 = arith.constant 0 : index
    %get3A_7 = vector.load %arg1[%get3A_5, %get3A_6] : memref<256x1024xf32, #tpu.memory_space<vmem>>, vector<256x1024xf32>
    %get3A_8 = arith.constant 0 : index
    %get3A_9 = arith.constant 0 : index
    %get3A_10 = vector.load %arg2[%get3A_8, %get3A_9] : memref<256x1024xf32, #tpu.memory_space<vmem>>, vector<256x1024xf32>
    %mul3A = vector.broadcast %get3A_1 : vector<256x1xf32> to vector<256x1024xf32>
    %mul3A_11 = arith.mulf %mul3A, %get3A_10 : vector<256x1024xf32>
    %add3A = arith.addf %get3A_7, %mul3A_11 : vector<256x1024xf32>
    %get3A_12 = arith.constant 0 : index
    %get3A_13 = arith.constant 0 : index
    %get3A_14 = vector.load %arg3[%get3A_12, %get3A_13] : memref<256x1024xf32, #tpu.memory_space<vmem>>, vector<256x1024xf32>
    %mul3A_15 = vector.broadcast %get3A_4 : vector<256x1xf32> to vector<256x1024xf32>
    %mul3A_16 = arith.mulf %mul3A_15, %get3A_14 : vector<256x1024xf32>
    %add3A_17 = arith.addf %add3A, %mul3A_16 : vector<256x1024xf32>
    %reduce_sum3A = arith.constant dense<0.000000e+00> : vector<256xf32>
    %reduce_sum3A_18 = vector.multi_reduction <add>, %add3A_17, %reduce_sum3A [1] : vector<256x1024xf32> to vector<256xf32>
    %broadcast_in_dim3A = vector.shape_cast %reduce_sum3A_18 : vector<256xf32> to vector<256x1xf32>
    %div3A = arith.constant 1.024000e+03 : f32
    %div3A_19 = vector.broadcast %div3A : f32 to vector<256x1xf32>
    %div3A_20 = arith.divf %broadcast_in_dim3A, %div3A_19 : vector<256x1xf32>
    %sub3A = vector.broadcast %div3A_20 : vector<256x1xf32> to vector<256x1024xf32>
    %sub3A_21 = arith.subf %add3A_17, %sub3A : vector<256x1024xf32>
    %mul3A_22 = arith.mulf %sub3A_21, %sub3A_21 : vector<256x1024xf32>
    %reduce_sum3A_23 = arith.constant dense<0.000000e+00> : vector<256xf32>
    %reduce_sum3A_24 = vector.multi_reduction <add>, %mul3A_22, %reduce_sum3A_23 [1] : vector<256x1024xf32> to vector<256xf32>
    %broadcast_in_dim3A_25 = vector.shape_cast %reduce_sum3A_24 : vector<256xf32> to vector<256x1xf32>
    %div3A_26 = arith.constant 1.024000e+03 : f32
    %div3A_27 = vector.broadcast %div3A_26 : f32 to vector<256x1xf32>
    %div3A_28 = arith.divf %broadcast_in_dim3A_25, %div3A_27 : vector<256x1xf32>
    %add3A_29 = arith.constant 9.99999974E-6 : f32
    %add3A_30 = vector.broadcast %add3A_29 : f32 to vector<256x1xf32>
    %add3A_31 = arith.addf %div3A_28, %add3A_30 : vector<256x1xf32>
    %rsqrt3A = math.rsqrt %add3A_31 : vector<256x1xf32>
    %mul3A_32 = vector.broadcast %rsqrt3A : vector<256x1xf32> to vector<256x1024xf32>
    %mul3A_33 = arith.mulf %sub3A_21, %mul3A_32 : vector<256x1024xf32>
    %get3A_34 = arith.constant 0 : index
    %get3A_35 = arith.constant 0 : index
    %get3A_36 = vector.load %arg5[%get3A_34, %get3A_35] : memref<1x1024xf32, #tpu.memory_space<vmem>>, vector<1x1024xf32>
    %get3A_37 = vector.shape_cast %get3A_36 : vector<1x1024xf32> to vector<1024xf32>
    %broadcast_in_dim3A_38 = vector.shape_cast %get3A_37 : vector<1024xf32> to vector<1x1024xf32>
    %mul3A_39 = vector.broadcast %broadcast_in_dim3A_38 : vector<1x1024xf32> to vector<256x1024xf32>
    %mul3A_40 = arith.mulf %mul3A_33, %mul3A_39 : vector<256x1024xf32>
    %get3A_41 = arith.constant 0 : index
    %get3A_42 = arith.constant 0 : index
    %get3A_43 = vector.load %arg6[%get3A_41, %get3A_42] : memref<1x1024xf32, #tpu.memory_space<vmem>>, vector<1x1024xf32>
    %get3A_44 = vector.shape_cast %get3A_43 : vector<1x1024xf32> to vector<1024xf32>
    %broadcast_in_dim3A_45 = vector.shape_cast %get3A_44 : vector<1024xf32> to vector<1x1024xf32>
    %add3A_46 = vector.broadcast %broadcast_in_dim3A_45 : vector<1x1024xf32> to vector<256x1024xf32>
    %add3A_47 = arith.addf %mul3A_40, %add3A_46 : vector<256x1024xf32>
    %swap3A = arith.constant 0 : index
    %swap3A_48 = arith.constant 0 : index
    %swap3A_49 = vector.load %arg7[%swap3A, %swap3A_48] : memref<256x1024xf32, #tpu.memory_space<vmem>>, vector<256x1024xf32>
    tpu.vector_store %arg7[%swap3A, %swap3A_48], %add3A_47 {strides = array<i32>} : memref<256x1024xf32, #tpu.memory_space<vmem>>, vector<256x1024xf32>,
    return
  }
  func.func @transform_0(%arg0: i32) -> (i32, i32) {
    %c0_i32 = arith.constant 0 : i32
    %c0_i32_0 = arith.constant 0 : i32
    return %arg0, %c0_i32 : i32, i32
  }
  func.func @transform_1(%arg0: i32) -> (i32, i32) {
    %c0_i32 = arith.constant 0 : i32
    %c0_i32_0 = arith.constant 0 : i32
    return %arg0, %c0_i32 : i32, i32
  }
  func.func @transform_2(%arg0: i32) -> (i32, i32) {
    %add3A = arith.constant 8 : i32
    %add3A_0 = arith.addi %arg0, %add3A : i32
    %c0_i32 = arith.constant 0 : i32
    %c0_i32_1 = arith.constant 0 : i32
    return %add3A_0, %c0_i32 : i32, i32
  }
  func.func @transform_3(%arg0: i32) -> (i32, i32) {
    %c0_i32 = arith.constant 0 : i32
    %c0_i32_0 = arith.constant 0 : i32
    return %arg0, %c0_i32 : i32, i32
  }
  func.func @transform_4(%arg0: i32) -> (i32, i32) {
    %c0_i32 = arith.constant 0 : i32
    %c0_i32_0 = arith.constant 0 : i32
    %c0_i32_1 = arith.constant 0 : i32
    return %c0_i32, %c0_i32_0 : i32, i32
  }
  func.func @transform_5(%arg0: i32) -> (i32, i32) {
    %c0_i32 = arith.constant 0 : i32
    %c0_i32_0 = arith.constant 0 : i32
    %c0_i32_1 = arith.constant 0 : i32
    return %c0_i32, %c0_i32_0 : i32, i32
  }
  func.func @transform_6(%arg0: i32) -> (i32, i32) {
    %c0_i32 = arith.constant 0 : i32
    %c0_i32_0 = arith.constant 0 : i32
    return %arg0, %c0_i32 : i32, i32
  }
}

</mosaic_0001>

<sc_bundles>
// kernel: kernel.11.cloned.1.call-start
scs
__scs_entry_jumppad:
0x0: {  	(pc) =	sbr.rel $0x88, $3  }
0x1: {  	(tag) =	ssettag $0x0;
	lr =	simm.s32 $0x1  }
0x2: {  	[smem:$0x3F98] =	sst lr;
	_ =	strace $0xD0000000  }
0x3: {  	_ = 	snop  }
0x4: {  	_ = 	snop  }
0x5: {  	_ = 	snop  }
0x6: {  	_ = 	snop  }
0x7: {  	_ = 	snop  }
__scs_overlays_trampoline_lowered:
0x8: {  	[smem:$0x3FA7] =	sst s0  }
0x9: {  	[smem:$0x3FA8] =	sst s1  }
0xa: {  	[smem:$0x3FA9] =	sst s2  }
0xb: {  	[smem:$0x3FAA] =	sst s3  }
0xc: {  	[smem:$0x3FAB] =	sst s4  }
0xd: {  	[smem:$0x3FAC] =	sst s5  }
0xe: {  	[smem:$0x3FAD] =	sst s6  }
0xf: {  	[smem:$0x3FAE] =	sst s7  }
0x10: {  	[smem:$0x3FAF] =	sst s8  }
0x11: {  	[smem:$0x3FB0] =	sst s9;
	s0 =	simm.s32 @!p0 $0x0  }
0x12: {  	s1 =	sld [smem:$0x3F96];
	s0 =	simm.s32 @p0 $0x1  }
0x13: {  	[smem:$0x3FB1] =	sst s0;
	s0 =	simm.s32 @!p1 $0x0  }
0x14: {  	s2 =	sld [smem:$0x3F95];
	s0 =	simm.s32 @p1 $0x1  }
0x15: {  	[smem:$0x3FB2] =	sst s0;
	s0 =	simm.s32 @!p2 $0x0  }
0x16: {  	s3 =	sld [smem:$0x3FDB];
	s0 =	simm.s32 @p2 $0x1  }
0x17: {  	s4 =	simm.s32 $0x1BF5;
	[smem:$0x3FB4] =	sst s0  }
0x18: {  	s0 =	sld [smem:$0x3F97];
	_ =	swait.ge [sflag:s4], $0x0  }
0x19: {  	s7 =	sld [smem:$0x3F98]  }
0x1a: {  	s8 =	sadd.s32 $0xFFFFE003, lr  }
0x1b: {  	s9 =	sadd.s32 $0xFFFFFEF7, lr;
	s5 =	simm.s32 $0xFFFFFFFF;
	p2 =	slt.u32 s8, $0xFFFFF086  }
0x1c: {  	p1 =	slt.u32 s9, $0xF7A;
	s5 =	simm.s32 @!p2 $0x0  }
0x1d: {  	s5 =	simm.s32 @p1 $0x1;
	p0 =	seq.s32 s7, s2  }
0x1e: {  	s7 =	smul.u32 @!p0 $0xF7A, s2;
	p2 =	seq.s32 @!p0 s5, $0x0  }
0x1f: {  	s9 =	smul.u32 $0xF7A, s1;
	s8 =	simm.s32 @!p0 $0x1BF5;
	p2 =	por !p2, p0  }
0x20: {  	[sflag:s8] =	ssyncset.s32 @!p0 $0xFFFFF086;
	s6 =	sadd.s32 @!p0 s3, s7;
	s7 =	simm.s32 @!p0 $0x108  }
0x21: {  	s3 =	sadd.s32 s3, s9;
	s6 =	sadd.s32 @!p0 $0x88, s6;
	s7 =	simm.s32 @p2 $0x1082  }
0x22: {  	[simem:s7], [sflag:s8] =	dma.local @!p0 [hbm:s6], $0xF7A  }
0x23: {  	s9 =	sor.u32 $0xD0000000, s2;
	s6 =	simm.s32 $0x108;
	_ =	swait.ge @!p0 [sflag:s8], $0x0  }
0x24: {  	s3 =	sadd.s32 $0x88, s3;
	s6 =	simm.s32 @!p1 $0x1082;
	[sflag:s4] =	ssyncset.s32 $0xFFFFF086  }
0x25: {  	[simem:s6], [sflag:s4] =	dma.local [hbm:s3], $0xF7A  }
0x26: {  	[smem:$0x3F98] =	sst s1;
	(tag) =	ssettag s2;
	_ =	strace s9  }
0x27: {  	s1 =	sld [smem:$0x3FA8]  }
0x28: {  	s2 =	sld [smem:$0x3FA9]  }
0x29: {  	s4 =	sld [smem:$0x3FAB]  }
0x2a: {  	p0 =	seq.s32 s5, $0x0;
	s5 =	sld [smem:$0x3FAC]  }
0x2b: {  	s6 =	sld [smem:$0x3FAD]  }
0x2c: {  	s7 =	sld [smem:$0x3FAE]  }
0x2d: {  	s3 =	simm.s32 $0x108;
	s8 =	sld [smem:$0x3FAF]  }
0x2e: {  	s3 =	simm.s32 @!p0 $0x1082;
	s9 =	sld [smem:$0x3FB0]  }
0x2f: {  	lr =	sadd.s32 s0, s3;
	s0 =	sld [smem:$0x3FA7]  }
0x30: {  	s3 =	sld [smem:$0x3FAA]  }
0x31: {  	[smem:$0x3FB3] =	sst s10  }
0x32: {  	s10 =	sld [smem:$0x3FB1];
	_ =	sdelay $0x3  }
0x33: {  	p0 =	seq.s32 s10, $0x1;
	s10 =	sld [smem:$0x3FB3];
	_ =	sdelay $0x3  }
0x34: {  	[smem:$0x3FB3] =	sst s10  }
0x35: {  	s10 =	sld [smem:$0x3FB2];
	_ =	sdelay $0x3  }
0x36: {  	p1 =	seq.s32 s10, $0x1;
	s10 =	sld [smem:$0x3FB3];
	_ =	sdelay $0x3  }
0x37: {  	[smem:$0x3FB3] =	sst s10  }
0x38: {  	s10 =	sld [smem:$0x3FB4]  }
0x39: {  	_ = 	snop;
	(pc) =	sbr.ind lr, $3  }
0x3a: {  	_ = 	snop  }
0x3b: {  	_ = 	snop  }
0x3c: {  	p2 =	seq.s32 s10, $0x1;
	s10 =	sld [smem:$0x3FB3]  }
0x3d: {  	_ =	shalt  }
0x3e: {  	_ =	shalt  }
0x3f: {  	_ =	shalt  }
0x40: {  	_ =	shalt  }
0x41: {  	_ =	shalt  }
0x42: {  	_ =	shalt  }
0x43: {  	_ =	shalt  }
0x44: {  	_ =	shalt  }
0x45: {  	_ =	shalt  }
0x46: {  	_ =	shalt  }
0x47: {  	_ =	shalt  }
0x48: {  	_ =	shalt  }
0x49: {  	_ =	shalt  }
0x4a: {  	_ =	shalt  }
0x4b: {  	_ =	shalt  }
0x4c: {  	_ =	shalt  }
0x4d: {  	_ =	shalt  }
0x4e: {  	_ =	shalt  }
0x4f: {  	_ =	shalt  }
0x50: {  	_ =	shalt  }
0x51: {  	_ =	shalt  }
0x52: {  	_ =	shalt  }
0x53: {  	_ =	shalt  }
0x54: {  	_ =	shalt  }
0x55: {  	_ =	shalt  }
0x56: {  	_ =	shalt  }
0x57: {  	_ =	shalt  }
0x58: {  	_ =	shalt  }
0x59: {  	_ =	shalt  }
0x5a: {  	_ =	shalt  }
0x5b: {  	_ =	shalt  }
0x5c: {  	_ =	shalt  }
0x5d: {  	_ =	shalt  }
0x5e: {  	_ =	shalt  }
0x5f: {  	_ =	shalt  }
0x60: {  	_ =	shalt  }
0x61: {  	_ =	shalt  }
0x62: {  	_ =	shalt  }
0x63: {  	_ =	shalt  }
0x64: {  	_ =	shalt  }
0x65: {  	_ =	shalt  }
0x66: {  	_ =	shalt  }
0x67: {  	_ =	shalt  }
0x68: {  	_ =	shalt  }
0x69: {  	_ =	shalt  }
0x6a: {  	_ =	shalt  }
0x6b: {  	_ =	shalt  }
0x6c: {  	_ =	shalt  }
0x6d: {  	_ =	shalt  }
0x6e: {  	_ =	shalt  }
0x6f: {  	_ =	shalt  }
0x70: {  	_ =	shalt  }
0x71: {  	_ =	shalt  }
0x72: {  	_ =	shalt  }
0x73: {  	_ =	shalt  }
0x74: {  	_ =	shalt  }
0x75: {  	_ =	shalt  }
0x76: {  	_ =	shalt  }
0x77: {  	_ =	shalt  }
0x78: {  	_ =	shalt  }
0x79: {  	_ =	shalt  }
0x7a: {  	_ =	shalt  }
0x7b: {  	_ =	shalt  }
0x7c: {  	_ =	shalt  }
0x7d: {  	_ =	shalt  }
0x7e: {  	_ =	shalt  }
0x7f: {  	_ =	shalt  }
0x80: {  	_ =	shalt  }
0x81: {  	_ =	shalt  }
0x82: {  	_ =	shalt  }
0x83: {  	_ =	shalt  }
0x84: {  	_ =	shalt  }
0x85: {  	_ =	shalt  }
0x86: {  	_ =	shalt  }
0x87: {  	_ =	shalt  }
.Lfunc_end0:
.L_simem_size_0:
called_computation.1_lowered:
.L_overlay_start_0:
0x88: {  	s2 =	sld [smem:$0x3FD9]  }
0x89: {  	s3 =	sld [smem:$0x3FFE];
	_ =	sdelay $0x1  }
0x8a: {  	s1 =	srdreg.scid  }
0x8b: {  	s0 =	sand.u32 $0x1, s1  }
0x8c: {  	s17 =	sshll.u32 s0, $0xA;
	s2 =	sadd.s32 s3, s2  }
0x8d: {  	s2 =	sadd.s32 s2, s17  }
0x8e: {  	[smem:$0x3FBF] =	sst s2  }
0x8f: {  	_ = 	snop  }
0x90: {  	s2 =	sld [smem:$0x3FC9];
	(tm) =	ssettm $0x1  }
0x91: {  	s18 =	sld [smem:$0x3FFB];
	_ =	sdelay $0x3  }
0x92: {  	_ =	strace s18  }
0x93: {  	s3 =	sld [smem:$0x3FFC];
	_ =	sdelay $0x3  }
0x94: {  	_ =	strace s3  }
0x95: {  	s3 =	sld [smem:$0x3FFD];
	_ =	sdelay $0x3  }
0x96: {  	_ =	strace s3  }
0x97: {  	_ =	strace $0x8FFFFFFF  }
0x98: {  	s19 =	sld [smem:$0x3FDB];
	_ =	sdelay $0x1  }
0x99: {  	s4 =	simm.s32 $_scs_section_size  }
0x9a: {  	s5 =	simm.s32 $_size__tile_overlayer_lowered;
	s6 =	simm.s32 $_tile_overlayer_lowered  }
0x9b: {  	s22 =	simm.s32 $0x1BFF;
	s21 =	sshll.u32 s6, $0x1;
	s3 =	sadd.s32 s4, s19  }
0x9c: {  	s7 =	simm.s32 $0x0;
	s20 =	sshll.u32 s5, $0x1;
	s5 =	sadd.s32 s21, s3  }
0x9d: {  	[timem:s7], [sflag:s22] =	dma.local [hbm:s5], s20  }
0x9e: {  	_ =	swait.ge [sflag:s22], s20  }
0x9f: {  	s4 =	ssub.s32 $0x0, s20;
	[sflag:s22] =	ssyncset.done $0x0  }
0xa0: {  	[sflag:s22] =	ssyncadd.s32 s4;
	_ =	sdelay $0x1  }
0xa1: {  	s23 =	simm.s32 $0x1B8B  }
0xa2: {  	_ =	swait.ge [sflag:s23], $0x1  }
0xa3: {  	[sflag:s23] =	ssyncset.done $0x0  }
0xa4: {  	s25 =	simm.s32 $0x1B8E;
	s24 =	sld [smem:$0x3FFE];
	[sflag:s23] =	ssyncadd.s32 $0xFFFFFFFF  }
0xa5: {  	s26 =	simm.s32 $execute0_lowered;
	[smem:$0x3FD2] =	sst s25  }
0xa6: {  	s5 =	sshll.u32 s26, $0x1;
	_ =	strace $0x80000049;
	[dreg:$0x1] =	wrdreg $0xFFFFFFFF  }
0xa7: {  	s28 =	simm.s32 $_size_execute0_lowered;
	s3 =	sadd.s32 s3, s5;
	[dreg:$0x0] =	wrdreg $0x0  }
0xa8: {  	s5 =	sshll.u32 s28, $0x1;
	[dreg:$0x2] =	wrdreg s3  }
0xa9: {  	[dreg:$0x3] =	wrdreg s5  }
0xaa: {  	[dreg:$0x4] =	wrdreg $0xC0  }
0xab: {  	_ =	task [dreg:s7], $0x5FFFF  }
0xac: {  	[dreg:$0x1] =	wrdreg $0xFFFFFFFF  }
0xad: {  	[dreg:$0x0] =	wrdreg $0x60  }
0xae: {  	[dreg:$0x2] =	wrdreg s2  }
0xaf: {  	[dreg:$0x3] =	wrdreg s24  }
0xb0: {  	[dreg:$0x4] =	wrdreg $0x9  }
0xb1: {  	_ =	task.clear_ibuf [dreg:s7], $0x5FFFF;
	_ =	strace $0x90000049  }
0xb2: {  	s29 =	simm.s32 $0x9;
	_ =	strace $0x8000004B  }
0xb3: {  	_ =	swait.ge [sflag:s29], $0x1  }
0xb4: {  	[sflag:s29] =	ssyncadd.s32 $0xFFFFFFFF  }
0xb5: {  	_ =	strace $0x9000004B  }
0xb6: {  	_ =	sfence  }
0xb7: {  	s30 =	sld [smem:$0x0];
	_ =	sdelay $0x2  }
0xb8: {  	s31 =	sshll.u32 s1, $0xD;
	s1 =	sshrl.u32 s1, $0x2  }
0xb9: {  	s3 =	sand.u32 $0x4000, s31;
	s1 =	sadd.s32 s1, s30  }
0xba: {  	s0 =	sor.u32 s3, s0;
	s1 =	sshll.u32 s1, $0x11  }
0xbb: {  	s0 =	sor.u32 s1, s0  }
0xbc: {  	s0 =	sadd.s32 $0x8F2B, s0  }
0xbd: {  	[sflag:s0] =	ssyncadd.remote.s32 $0x1  }
0xbe: {  	_ =	sfence.sel $0xFFFF  }
0xbf: {  	[dreg:$0x0] =	wrdreg $0xFFFFFFFF;
	(pc) =	sbr.abs _section_cstart, $3  }
0xc0: {  	[dreg:$0x1] =	wrdreg $0xFFFFFFFF  }
0xc1: {  	_ =	task.clear_ibuf [dreg:s7], $0x2FFFF;
	_ =	strace $0x9FFFFFFF  }
0xc2: {  	(tm) =	ssettm $0x7FFFFFFF  }
0xc3: {  	_ =	shalt  }
tec
execute0_lowered:
.L_overlay_start_1:
0x0: {  	(tag) =	ssettag $0x1  }
0x1: {  	s0 =	srdreg.scid  }
0x2: {  	s1 =	stileid.u32;
	s2 =	rddreg [dreg:$0x0]  }
0x3: {  	s4 =	rddreg [dreg:$0x1];
	s3 =	simm.s32 $0x0;
	s8 =	simm.s32 $0x2  }
0x4: {  	s18 =	simm.s32 $0x1;
	s20 =	simm.s32 $0x900;
	s21 =	simm.s32 $0x1100  }
0x5: {  	s28 =	simm.s32 $0x4100;
	s29 =	simm.s32 $0x4900;
	s30 =	simm.s32 $0x5100  }
0x6: {  	s31 =	simm.s32 $0x5900;
	s10 =	simm.s32 $0x7100;
	s11 =	simm.s32 $0x7900  }
0x7: {  	s12 =	simm.s32 $0x8100;
	s13 =	simm.s32 $0x8900;
	s14 =	simm.s32 $0x9100  }
0x8: {  	s15 =	simm.s32 $0x9900;
	s0 =	sand.u32 $0x1, s0;
	s1 =	sshll.u32 s1, $0x1  }
0x9: {  	s16 =	simm.s32 $0xA100;
	s17 =	simm.s32 $0xA900;
	s1 =	sor.u32 s0, s1  }
0xa: {  	[smem:$0x7FF] =	sst s3;
	s0 =	ssub.s32 $0x2, s0;
	s5 =	smul.u32 $0x18, s1  }
0xb: {  	s6 =	sadd.s32 $0x3600, s4;
	s22 =	smul.u32 $0x30000, s1;
	s7 =	sshrl.u32 s0, $0x1  }
0xc: {  	_ =	strace $0x8000004A;
	s1 =	smul.u32 $0x6000, s1;
	s0 =	ssub.s32 s0, s7  }
0xd: {  	s5 =	sadd.s32 s5, s4;
	s23 =	sshrl.u32 s22, $0x3;
	s4 =	sadd.s32 $0x100, s2  }
0xe: {  	s1 =	sadd.s32 s6, s1;
	s7 =	smax.u32 s0, $0x1;
	s0 =	simm.s32 $0x100  }
0xf: {  	s22 =	simm.s32 $0x1900;
	s5 =	sadd.s32 $0x3200, s5;
	s24 =	sadd.s32 s6, s23  }
0x10: {  	[dreg:$0x4] =	wrdreg s1;
	s6 =	sadd.s32 $0x300, s2;
	s23 =	simm.s32 $0x2100  }
0x11: {  	v2 =	vlaneseq.u32;
	[dreg:$0x3] =	wrdreg s5;
	s5 =	sadd.s32 $0x200, s2;
	s25 =	sadd.s32 $0x2000, s24  }
0x12: {  	vm0 =	vmmov $0xffff;
	v1 =	vshrl.u32 v2, $0x3;
	s26 =	sadd.s32 $0x4000, s24;
	s24 =	simm.s32 $0x2900;
	[dreg:$0x5] =	wrdreg s25  }
0x13: {  	v0 =	vand.u32 $0x7, v2;
	v2 =	vor.u32 $0x8, v2;
	v1 =	vmul.u32 $0x8, v1;
	[dreg:$0x6] =	wrdreg s26;
	s25 =	simm.s32 $0x3100;
	s26 =	simm.s32 $0x3900  }
.LBB2_1:
0x14: {  	s19 =	rddreg [dreg:$0x3]  }
0x15: {  	[tilespmem:s3], [sflag:$0x2] =	stream.linear.gather [hbm4b:s19+s3], $0xC0, $0x38;
	[tilespmem:$0x10100] =	vst v63  }
0x16: {  	_ =	swait.ge [sflag:s8], $0xC0  }
0x17: {  	[sflag:s8] =	ssyncset.done $0x0  }
0x18: {  	[sflag:s8] =	ssyncadd.s32 $0xFFFFFF40  }
0x19: {  	v3 =	vld [tilespmem:$0x0];
	_ =	sdelay $0x4  }
0x1a: {  	v4 =	vshll.u32 v3, $0x3  }
0x1b: {  	v3 =	vand.u32 $0x7, v3;
	v4 =	vand.u32 $0xFFFFFFC0, v4  }
0x1c: {  	v3 =	vor.u32 v3, v4  }
0x1d: {  	v4 =	vperm.xlane v3, v0;
	_ =	sdelay $0x1  }
0x1e: {  	v4 =	vadd.s32 v1, v4;
	_ =	sdelay $0x4  }
0x1f: {  	[tilespmem:s0], [sflag:$0x1] =	stream.indirect_vreg.gather [hbm4b:s2+s3], $0x80, v4, vm0, $0xb8;
	[tilespmem:$0x10100] =	vst v63  }
0x20: {  	v3 =	vperm.xlane v3, v2  }
0x21: {  	[tilespmem:s20], [sflag:$0x1] =	stream.indirect_vreg.gather [hbm4b:s4+s3], $0x80, v4, vm0, $0xb8;
	[tilespmem:$0x10100] =	vst v63  }
0x22: {  	v3 =	vadd.s32 v1, v3  }
0x23: {  	[tilespmem:s21], [sflag:$0x1] =	stream.indirect_vreg.gather [hbm4b:s5+s3], $0x80, v4, vm0, $0xb8;
	[tilespmem:$0x10100] =	vst v63  }
0x24: {  	_ = 	snop  }
0x25: {  	[tilespmem:s22], [sflag:$0x1] =	stream.indirect_vreg.gather [hbm4b:s6+s3], $0x80, v4, vm0, $0xb8;
	[tilespmem:$0x10100] =	vst v63  }
0x26: {  	_ = 	snop  }
0x27: {  	[tilespmem:s23], [sflag:$0x1] =	stream.indirect_vreg.gather [hbm4b:s2+s3], $0x80, v3, vm0, $0xb8;
	[tilespmem:$0x10100] =	vst v63  }
0x28: {  	_ = 	snop  }
0x29: {  	[tilespmem:s24], [sflag:$0x1] =	stream.indirect_vreg.gather [hbm4b:s4+s3], $0x80, v3, vm0, $0xb8;
	[tilespmem:$0x10100] =	vst v63  }
0x2a: {  	_ = 	snop  }
0x2b: {  	[tilespmem:s25], [sflag:$0x1] =	stream.indirect_vreg.gather [hbm4b:s5+s3], $0x80, v3, vm0, $0xb8;
	[tilespmem:$0x10100] =	vst v63  }
0x2c: {  	_ = 	snop  }
0x2d: {  	[tilespmem:s26], [sflag:$0x1] =	stream.indirect_vreg.gather [hbm4b:s6+s3], $0x80, v3, vm0, $0xb8;
	[tilespmem:$0x10100] =	vst v63  }
0x2e: {  	v3 =	vld [tilespmem:$0x10];
	_ =	sdelay $0x4  }
0x2f: {  	v53 =	vshll.u32 v3, $0x3  }
0x30: {  	v3 =	vand.u32 $0x7, v3;
	v4 =	vand.u32 $0xFFFFFFC0, v53  }
0x31: {  	v3 =	vor.u32 v3, v4  }
0x32: {  	v4 =	vperm.xlane v3, v0;
	_ =	sdelay $0x1  }
0x33: {  	v4 =	vadd.s32 v1, v4;
	_ =	sdelay $0x4  }
0x34: {  	[tilespmem:s28], [sflag:$0x1] =	stream.indirect_vreg.gather [hbm4b:s2+s3], $0x80, v4, vm0, $0xb8;
	[tilespmem:$0x10100] =	vst v63  }
0x35: {  	v3 =	vperm.xlane v3, v2  }
0x36: {  	[tilespmem:s29], [sflag:$0x1] =	stream.indirect_vreg.gather [hbm4b:s4+s3], $0x80, v4, vm0, $0xb8;
	[tilespmem:$0x10100] =	vst v63  }
0x37: {  	v3 =	vadd.s32 v1, v3  }
0x38: {  	[tilespmem:s30], [sflag:$0x1] =	stream.indirect_vreg.gather [hbm4b:s5+s3], $0x80, v4, vm0, $0xb8;
	[tilespmem:$0x10100] =	vst v63  }
0x39: {  	_ = 	snop  }
0x3a: {  	[tilespmem:s31], [sflag:$0x1] =	stream.indirect_vreg.gather [hbm4b:s6+s3], $0x80, v4, vm0, $0xb8;
	[tilespmem:$0x10100] =	vst v63  }
0x3b: {  	s1 =	simm.s32 $0x6100  }
0x3c: {  	[tilespmem:s1], [sflag:$0x1] =	stream.indirect_vreg.gather [hbm4b:s2+s3], $0x80, v3, vm0, $0xb8;
	[tilespmem:$0x10100] =	vst v63  }
0x3d: {  	s9 =	simm.s32 $0x6900  }
0x3e: {  	[tilespmem:s9], [sflag:$0x1] =	stream.indirect_vreg.gather [hbm4b:s4+s3], $0x80, v3, vm0, $0xb8;
	[tilespmem:$0x10100] =	vst v63  }
0x3f: {  	_ = 	snop  }
0x40: {  	[tilespmem:s10], [sflag:$0x1] =	stream.indirect_vreg.gather [hbm4b:s5+s3], $0x80, v3, vm0, $0xb8;
	[tilespmem:$0x10100] =	vst v63  }
0x41: {  	_ = 	snop  }
0x42: {  	[tilespmem:s11], [sflag:$0x1] =	stream.indirect_vreg.gather [hbm4b:s6+s3], $0x80, v3, vm0, $0xb8;
	[tilespmem:$0x10100] =	vst v63  }
0x43: {  	v3 =	vld [tilespmem:$0x20];
	_ =	sdelay $0x4  }
0x44: {  	v54 =	vshll.u32 v3, $0x3  }
0x45: {  	v3 =	vand.u32 $0x7, v3;
	v4 =	vand.u32 $0xFFFFFFC0, v54  }
0x46: {  	v3 =	vor.u32 v3, v4  }
0x47: {  	v4 =	vperm.xlane v3, v0;
	_ =	sdelay $0x1  }
0x48: {  	v4 =	vadd.s32 v1, v4;
	_ =	sdelay $0x4  }
0x49: {  	[tilespmem:s12], [sflag:$0x1] =	stream.indirect_vreg.gather [hbm4b:s2+s3], $0x80, v4, vm0, $0xb8;
	[tilespmem:$0x10100] =	vst v63  }
0x4a: {  	v3 =	vperm.xlane v3, v2  }
0x4b: {  	[tilespmem:s13], [sflag:$0x1] =	stream.indirect_vreg.gather [hbm4b:s4+s3], $0x80, v4, vm0, $0xb8;
	[tilespmem:$0x10100] =	vst v63  }
0x4c: {  	v3 =	vadd.s32 v1, v3  }
0x4d: {  	[tilespmem:s14], [sflag:$0x1] =	stream.indirect_vreg.gather [hbm4b:s5+s3], $0x80, v4, vm0, $0xb8;
	[tilespmem:$0x10100] =	vst v63  }
0x4e: {  	_ = 	snop  }
0x4f: {  	[tilespmem:s15], [sflag:$0x1] =	stream.indirect_vreg.gather [hbm4b:s6+s3], $0x80, v4, vm0, $0xb8;
	[tilespmem:$0x10100] =	vst v63  }
0x50: {  	_ = 	snop  }
0x51: {  	[tilespmem:s16], [sflag:$0x1] =	stream.indirect_vreg.gather [hbm4b:s2+s3], $0x80, v3, vm0, $0xb8;
	[tilespmem:$0x10100] =	vst v63  }
0x52: {  	_ = 	snop  }
0x53: {  	[tilespmem:s17], [sflag:$0x1] =	stream.indirect_vreg.gather [hbm4b:s4+s3], $0x80, v3, vm0, $0xb8;
	[tilespmem:$0x10100] =	vst v63  }
0x54: {  	s9 =	simm.s32 $0xB100  }
0x55: {  	[tilespmem:s9], [sflag:$0x1] =	stream.indirect_vreg.gather [hbm4b:s5+s3], $0x80, v3, vm0, $0xb8;
	[tilespmem:$0x10100] =	vst v63  }
0x56: {  	s19 =	simm.s32 $0xB900  }
0x57: {  	[tilespmem:s19], [sflag:$0x1] =	stream.indirect_vreg.gather [hbm4b:s6+s3], $0x80, v3, vm0, $0xb8;
	[tilespmem:$0x10100] =	vst v63  }
0x58: {  	v3 =	vld [tilespmem:$0x30];
	_ =	sdelay $0x4  }
0x59: {  	v55 =	vshll.u32 v3, $0x3  }
0x5a: {  	v3 =	vand.u32 $0x7, v3;
	v4 =	vand.u32 $0xFFFFFFC0, v55  }
0x5b: {  	v3 =	vor.u32 v3, v4  }
0x5c: {  	v4 =	vperm.xlane v3, v0;
	_ =	sdelay $0x1  }
0x5d: {  	v4 =	vadd.s32 v1, v4;
	_ =	sdelay $0x3  }
0x5e: {  	s19 =	simm.s32 $0xC100  }
0x5f: {  	[tilespmem:s19], [sflag:$0x1] =	stream.indirect_vreg.gather [hbm4b:s2+s3], $0x80, v4, vm0, $0xb8;
	[tilespmem:$0x10100] =	vst v63  }
0x60: {  	v3 =	vperm.xlane v3, v2;
	s19 =	simm.s32 $0xC900  }
0x61: {  	[tilespmem:s19], [sflag:$0x1] =	stream.indirect_vreg.gather [hbm4b:s4+s3], $0x80, v4, vm0, $0xb8;
	[tilespmem:$0x10100] =	vst v63  }
0x62: {  	v3 =	vadd.s32 v1, v3;
	s19 =	simm.s32 $0xD100  }
0x63: {  	[tilespmem:s19], [sflag:$0x1] =	stream.indirect_vreg.gather [hbm4b:s5+s3], $0x80, v4, vm0, $0xb8;
	[tilespmem:$0x10100] =	vst v63  }
0x64: {  	s19 =	simm.s32 $0xD900  }
0x65: {  	[tilespmem:s19], [sflag:$0x1] =	stream.indirect_vreg.gather [hbm4b:s6+s3], $0x80, v4, vm0, $0xb8;
	[tilespmem:$0x10100] =	vst v63  }
0x66: {  	s19 =	simm.s32 $0xE100  }
0x67: {  	[tilespmem:s19], [sflag:$0x1] =	stream.indirect_vreg.gather [hbm4b:s2+s3], $0x80, v3, vm0, $0xb8;
	[tilespmem:$0x10100] =	vst v63  }
0x68: {  	s19 =	simm.s32 $0xE900  }
0x69: {  	[tilespmem:s19], [sflag:$0x1] =	stream.indirect_vreg.gather [hbm4b:s4+s3], $0x80, v3, vm0, $0xb8;
	[tilespmem:$0x10100] =	vst v63  }
0x6a: {  	s19 =	simm.s32 $0xF100  }
0x6b: {  	[tilespmem:s19], [sflag:$0x1] =	stream.indirect_vreg.gather [hbm4b:s5+s3], $0x80, v3, vm0, $0xb8;
	[tilespmem:$0x10100] =	vst v63  }
0x6c: {  	s19 =	simm.s32 $0xF900  }
0x6d: {  	[tilespmem:s19], [sflag:$0x1] =	stream.indirect_vreg.gather [hbm4b:s6+s3], $0x80, v3, vm0, $0xb8;
	[tilespmem:$0x10100] =	vst v63  }
0x6e: {  	_ =	swait.ge [sflag:s18], $0x10000  }
0x6f: {  	[sflag:s18] =	ssyncset.done $0x0  }
0x70: {  	s19 =	rddreg [dreg:$0x4];
	[sflag:s18] =	ssyncadd.s32 $0xFFFF0000  }
0x71: {  	[hbm4b:s19+s3] =	stream.linear.scatter [tilespmem:s0], [sflag:$0x2], $0x10000, $0x38;
	[tilespmem:$0x10100] =	vst v63  }
0x72: {  	_ =	swait.ge [sflag:s8], $0x10000  }
0x73: {  	[sflag:s8] =	ssyncset.done $0x0  }
0x74: {  	[sflag:s8] =	ssyncadd.s32 $0xFFFF0000  }
0x75: {  	v3 =	vld [tilespmem:$0x40];
	_ =	sdelay $0x4  }
0x76: {  	v56 =	vshll.u32 v3, $0x3  }
0x77: {  	v3 =	vand.u32 $0x7, v3;
	v4 =	vand.u32 $0xFFFFFFC0, v56  }
0x78: {  	v3 =	vor.u32 v3, v4  }
0x79: {  	v4 =	vperm.xlane v3, v0;
	_ =	sdelay $0x1  }
0x7a: {  	v4 =	vadd.s32 v1, v4;
	_ =	sdelay $0x4  }
0x7b: {  	[tilespmem:s0], [sflag:$0x1] =	stream.indirect_vreg.gather [hbm4b:s2+s3], $0x80, v4, vm0, $0xb8;
	[tilespmem:$0x10100] =	vst v63  }
0x7c: {  	v3 =	vperm.xlane v3, v2  }
0x7d: {  	[tilespmem:s20], [sflag:$0x1] =	stream.indirect_vreg.gather [hbm4b:s4+s3], $0x80, v4, vm0, $0xb8;
	[tilespmem:$0x10100] =	vst v63  }
0x7e: {  	v3 =	vadd.s32 v1, v3  }
0x7f: {  	[tilespmem:s21], [sflag:$0x1] =	stream.indirect_vreg.gather [hbm4b:s5+s3], $0x80, v4, vm0, $0xb8;
	[tilespmem:$0x10100] =	vst v63  }
0x80: {  	_ = 	snop  }
0x81: {  	[tilespmem:s22], [sflag:$0x1] =	stream.indirect_vreg.gather [hbm4b:s6+s3], $0x80, v4, vm0, $0xb8;
	[tilespmem:$0x10100] =	vst v63  }
0x82: {  	_ = 	snop  }
0x83: {  	[tilespmem:s23], [sflag:$0x1] =	stream.indirect_vreg.gather [hbm4b:s2+s3], $0x80, v3, vm0, $0xb8;
	[tilespmem:$0x10100] =	vst v63  }
0x84: {  	_ = 	snop  }
0x85: {  	[tilespmem:s24], [sflag:$0x1] =	stream.indirect_vreg.gather [hbm4b:s4+s3], $0x80, v3, vm0, $0xb8;
	[tilespmem:$0x10100] =	vst v63  }
0x86: {  	_ = 	snop  }
0x87: {  	[tilespmem:s25], [sflag:$0x1] =	stream.indirect_vreg.gather [hbm4b:s5+s3], $0x80, v3, vm0, $0xb8;
	[tilespmem:$0x10100] =	vst v63  }
0x88: {  	_ = 	snop  }
0x89: {  	[tilespmem:s26], [sflag:$0x1] =	stream.indirect_vreg.gather [hbm4b:s6+s3], $0x80, v3, vm0, $0xb8;
	[tilespmem:$0x10100] =	vst v63  }
0x8a: {  	v3 =	vld [tilespmem:$0x50];
	_ =	sdelay $0x4  }
0x8b: {  	v57 =	vshll.u32 v3, $0x3  }
0x8c: {  	v3 =	vand.u32 $0x7, v3;
	v4 =	vand.u32 $0xFFFFFFC0, v57  }
0x8d: {  	v3 =	vor.u32 v3, v4  }
0x8e: {  	v4 =	vperm.xlane v3, v0;
	_ =	sdelay $0x1  }
0x8f: {  	v4 =	vadd.s32 v1, v4;
	_ =	sdelay $0x4  }
0x90: {  	[tilespmem:s28], [sflag:$0x1] =	stream.indirect_vreg.gather [hbm4b:s2+s3], $0x80, v4, vm0, $0xb8;
	[tilespmem:$0x10100] =	vst v63  }
0x91: {  	v3 =	vperm.xlane v3, v2  }
0x92: {  	[tilespmem:s29], [sflag:$0x1] =	stream.indirect_vreg.gather [hbm4b:s4+s3], $0x80, v4, vm0, $0xb8;
	[tilespmem:$0x10100] =	vst v63  }
0x93: {  	v3 =	vadd.s32 v1, v3  }
0x94: {  	[tilespmem:s30], [sflag:$0x1] =	stream.indirect_vreg.gather [hbm4b:s5+s3], $0x80, v4, vm0, $0xb8;
	[tilespmem:$0x10100] =	vst v63  }
0x95: {  	_ = 	snop  }
0x96: {  	[tilespmem:s31], [sflag:$0x1] =	stream.indirect_vreg.gather [hbm4b:s6+s3], $0x80, v4, vm0, $0xb8;
	[tilespmem:$0x10100] =	vst v63  }
0x97: {  	_ = 	snop  }
0x98: {  	[tilespmem:s1], [sflag:$0x1] =	stream.indirect_vreg.gather [hbm4b:s2+s3], $0x80, v3, vm0, $0xb8;
	[tilespmem:$0x10100] =	vst v63  }
0x99: {  	s19 =	simm.s32 $0x6900  }
0x9a: {  	[tilespmem:s19], [sflag:$0x1] =	stream.indirect_vreg.gather [hbm4b:s4+s3], $0x80, v3, vm0, $0xb8;
	[tilespmem:$0x10100] =	vst v63  }
0x9b: {  	_ = 	snop  }
0x9c: {  	[tilespmem:s10], [sflag:$0x1] =	stream.indirect_vreg.gather [hbm4b:s5+s3], $0x80, v3, vm0, $0xb8;
	[tilespmem:$0x10100] =	vst v63  }
0x9d: {  	_ = 	snop  }
0x9e: {  	[tilespmem:s11], [sflag:$0x1] =	stream.indirect_vreg.gather [hbm4b:s6+s3], $0x80, v3, vm0, $0xb8;
	[tilespmem:$0x10100] =	vst v63  }
0x9f: {  	v3 =	vld [tilespmem:$0x60];
	_ =	sdelay $0x4  }
0xa0: {  	v58 =	vshll.u32 v3, $0x3  }
0xa1: {  	v3 =	vand.u32 $0x7, v3;
	v4 =	vand.u32 $0xFFFFFFC0, v58  }
0xa2: {  	v3 =	vor.u32 v3, v4  }
0xa3: {  	v4 =	vperm.xlane v3, v0;
	_ =	sdelay $0x1  }
0xa4: {  	v4 =	vadd.s32 v1, v4;
	_ =	sdelay $0x4  }
0xa5: {  	[tilespmem:s12], [sflag:$0x1] =	stream.indirect_vreg.gather [hbm4b:s2+s3], $0x80, v4, vm0, $0xb8;
	[tilespmem:$0x10100] =	vst v63  }
0xa6: {  	v3 =	vperm.xlane v3, v2  }
0xa7: {  	[tilespmem:s13], [sflag:$0x1] =	stream.indirect_vreg.gather [hbm4b:s4+s3], $0x80, v4, vm0, $0xb8;
	[tilespmem:$0x10100] =	vst v63  }
0xa8: {  	v3 =	vadd.s32 v1, v3  }
0xa9: {  	[tilespmem:s14], [sflag:$0x1] =	stream.indirect_vreg.gather [hbm4b:s5+s3], $0x80, v4, vm0, $0xb8;
	[tilespmem:$0x10100] =	vst v63  }
0xaa: {  	_ = 	snop  }
0xab: {  	[tilespmem:s15], [sflag:$0x1] =	stream.indirect_vreg.gather [hbm4b:s6+s3], $0x80, v4, vm0, $0xb8;
	[tilespmem:$0x10100] =	vst v63  }
0xac: {  	_ = 	snop  }
0xad: {  	[tilespmem:s16], [sflag:$0x1] =	stream.indirect_vreg.gather [hbm4b:s2+s3], $0x80, v3, vm0, $0xb8;
	[tilespmem:$0x10100] =	vst v63  }
0xae: {  	_ = 	snop  }
0xaf: {  	[tilespmem:s17], [sflag:$0x1] =	stream.indirect_vreg.gather [hbm4b:s4+s3], $0x80, v3, vm0, $0xb8;
	[tilespmem:$0x10100] =	vst v63  }
0xb0: {  	_ = 	snop  }
0xb1: {  	[tilespmem:s9], [sflag:$0x1] =	stream.indirect_vreg.gather [hbm4b:s5+s3], $0x80, v3, vm0, $0xb8;
	[tilespmem:$0x10100] =	vst v63  }
0xb2: {  	s19 =	simm.s32 $0xB900  }
0xb3: {  	[tilespmem:s19], [sflag:$0x1] =	stream.indirect_vreg.gather [hbm4b:s6+s3], $0x80, v3, vm0, $0xb8;
	[tilespmem:$0x10100] =	vst v63  }
0xb4: {  	v3 =	vld [tilespmem:$0x70];
	_ =	sdelay $0x4  }
0xb5: {  	v59 =	vshll.u32 v3, $0x3  }
0xb6: {  	v3 =	vand.u32 $0x7, v3;
	v4 =	vand.u32 $0xFFFFFFC0, v59  }
0xb7: {  	v3 =	vor.u32 v3, v4  }
0xb8: {  	v4 =	vperm.xlane v3, v0;
	_ =	sdelay $0x1  }
0xb9: {  	v4 =	vadd.s32 v1, v4;
	_ =	sdelay $0x3  }
0xba: {  	s19 =	simm.s32 $0xC100  }
0xbb: {  	[tilespmem:s19], [sflag:$0x1] =	stream.indirect_vreg.gather [hbm4b:s2+s3], $0x80, v4, vm0, $0xb8;
	[tilespmem:$0x10100] =	vst v63  }
0xbc: {  	v3 =	vperm.xlane v3, v2;
	s19 =	simm.s32 $0xC900  }
0xbd: {  	[tilespmem:s19], [sflag:$0x1] =	stream.indirect_vreg.gather [hbm4b:s4+s3], $0x80, v4, vm0, $0xb8;
	[tilespmem:$0x10100] =	vst v63  }
0xbe: {  	v3 =	vadd.s32 v1, v3;
	s19 =	simm.s32 $0xD100  }
0xbf: {  	[tilespmem:s19], [sflag:$0x1] =	stream.indirect_vreg.gather [hbm4b:s5+s3], $0x80, v4, vm0, $0xb8;
	[tilespmem:$0x10100] =	vst v63  }
0xc0: {  	s19 =	simm.s32 $0xD900  }
0xc1: {  	[tilespmem:s19], [sflag:$0x1] =	stream.indirect_vreg.gather [hbm4b:s6+s3], $0x80, v4, vm0, $0xb8;
	[tilespmem:$0x10100] =	vst v63  }
0xc2: {  	s19 =	simm.s32 $0xE100  }
0xc3: {  	[tilespmem:s19], [sflag:$0x1] =	stream.indirect_vreg.gather [hbm4b:s2+s3], $0x80, v3, vm0, $0xb8;
	[tilespmem:$0x10100] =	vst v63  }
0xc4: {  	s19 =	simm.s32 $0xE900  }
0xc5: {  	[tilespmem:s19], [sflag:$0x1] =	stream.indirect_vreg.gather [hbm4b:s4+s3], $0x80, v3, vm0, $0xb8;
	[tilespmem:$0x10100] =	vst v63  }
0xc6: {  	s19 =	simm.s32 $0xF100  }
0xc7: {  	[tilespmem:s19], [sflag:$0x1] =	stream.indirect_vreg.gather [hbm4b:s5+s3], $0x80, v3, vm0, $0xb8;
	[tilespmem:$0x10100] =	vst v63  }
0xc8: {  	s19 =	simm.s32 $0xF900  }
0xc9: {  	[tilespmem:s19], [sflag:$0x1] =	stream.indirect_vreg.gather [hbm4b:s6+s3], $0x80, v3, vm0, $0xb8;
	[tilespmem:$0x10100] =	vst v63  }
0xca: {  	_ =	swait.ge [sflag:s18], $0x10000  }
0xcb: {  	[sflag:s18] =	ssyncset.done $0x0  }
0xcc: {  	s19 =	rddreg [dreg:$0x5];
	[sflag:s18] =	ssyncadd.s32 $0xFFFF0000  }
0xcd: {  	[hbm4b:s19+s3] =	stream.linear.scatter [tilespmem:s0], [sflag:$0x2], $0x10000, $0x38;
	[tilespmem:$0x10100] =	vst v63  }
0xce: {  	_ =	swait.ge [sflag:s8], $0x10000  }
0xcf: {  	[sflag:s8] =	ssyncset.done $0x0  }
0xd0: {  	[sflag:s8] =	ssyncadd.s32 $0xFFFF0000  }
0xd1: {  	v3 =	vld [tilespmem:$0x80];
	_ =	sdelay $0x4  }
0xd2: {  	v60 =	vshll.u32 v3, $0x3  }
0xd3: {  	v3 =	vand.u32 $0x7, v3;
	v4 =	vand.u32 $0xFFFFFFC0, v60  }
0xd4: {  	v3 =	vor.u32 v3, v4  }
0xd5: {  	v4 =	vperm.xlane v3, v0;
	_ =	sdelay $0x1  }
0xd6: {  	v4 =	vadd.s32 v1, v4;
	_ =	sdelay $0x4  }
0xd7: {  	[tilespmem:s0], [sflag:$0x1] =	stream.indirect_vreg.gather [hbm4b:s2+s3], $0x80, v4, vm0, $0xb8;
	[tilespmem:$0x10100] =	vst v63  }
0xd8: {  	v3 =	vperm.xlane v3, v2  }
0xd9: {  	[tilespmem:s20], [sflag:$0x1] =	stream.indirect_vreg.gather [hbm4b:s4+s3], $0x80, v4, vm0, $0xb8;
	[tilespmem:$0x10100] =	vst v63  }
0xda: {  	v3 =	vadd.s32 v1, v3  }
0xdb: {  	[tilespmem:s21], [sflag:$0x1] =	stream.indirect_vreg.gather [hbm4b:s5+s3], $0x80, v4, vm0, $0xb8;
	[tilespmem:$0x10100] =	vst v63  }
0xdc: {  	_ = 	snop  }
0xdd: {  	[tilespmem:s22], [sflag:$0x1] =	stream.indirect_vreg.gather [hbm4b:s6+s3], $0x80, v4, vm0, $0xb8;
	[tilespmem:$0x10100] =	vst v63  }
0xde: {  	_ = 	snop  }
0xdf: {  	[tilespmem:s23], [sflag:$0x1] =	stream.indirect_vreg.gather [hbm4b:s2+s3], $0x80, v3, vm0, $0xb8;
	[tilespmem:$0x10100] =	vst v63  }
0xe0: {  	_ = 	snop  }
0xe1: {  	[tilespmem:s24], [sflag:$0x1] =	stream.indirect_vreg.gather [hbm4b:s4+s3], $0x80, v3, vm0, $0xb8;
	[tilespmem:$0x10100] =	vst v63  }
0xe2: {  	_ = 	snop  }
0xe3: {  	[tilespmem:s25], [sflag:$0x1] =	stream.indirect_vreg.gather [hbm4b:s5+s3], $0x80, v3, vm0, $0xb8;
	[tilespmem:$0x10100] =	vst v63  }
0xe4: {  	_ = 	snop  }
0xe5: {  	[tilespmem:s26], [sflag:$0x1] =	stream.indirect_vreg.gather [hbm4b:s6+s3], $0x80, v3, vm0, $0xb8;
	[tilespmem:$0x10100] =	vst v63  }
0xe6: {  	v3 =	vld [tilespmem:$0x90];
	_ =	sdelay $0x4  }
0xe7: {  	v61 =	vshll.u32 v3, $0x3  }
0xe8: {  	v3 =	vand.u32 $0x7, v3;
	v4 =	vand.u32 $0xFFFFFFC0, v61  }
0xe9: {  	v3 =	vor.u32 v3, v4  }
0xea: {  	v4 =	vperm.xlane v3, v0;
	_ =	sdelay $0x1  }
0xeb: {  	v4 =	vadd.s32 v1, v4;
	_ =	sdelay $0x4  }
0xec: {  	[tilespmem:s28], [sflag:$0x1] =	stream.indirect_vreg.gather [hbm4b:s2+s3], $0x80, v4, vm0, $0xb8;
	[tilespmem:$0x10100] =	vst v63  }
0xed: {  	v3 =	vperm.xlane v3, v2  }
0xee: {  	[tilespmem:s29], [sflag:$0x1] =	stream.indirect_vreg.gather [hbm4b:s4+s3], $0x80, v4, vm0, $0xb8;
	[tilespmem:$0x10100] =	vst v63  }
0xef: {  	v3 =	vadd.s32 v1, v3  }
0xf0: {  	[tilespmem:s30], [sflag:$0x1] =	stream.indirect_vreg.gather [hbm4b:s5+s3], $0x80, v4, vm0, $0xb8;
	[tilespmem:$0x10100] =	vst v63  }
0xf1: {  	_ = 	snop  }
0xf2: {  	[tilespmem:s31], [sflag:$0x1] =	stream.indirect_vreg.gather [hbm4b:s6+s3], $0x80, v4, vm0, $0xb8;
	[tilespmem:$0x10100] =	vst v63  }
0xf3: {  	_ = 	snop  }
0xf4: {  	[tilespmem:s1], [sflag:$0x1] =	stream.indirect_vreg.gather [hbm4b:s2+s3], $0x80, v3, vm0, $0xb8;
	[tilespmem:$0x10100] =	vst v63  }
0xf5: {  	s19 =	simm.s32 $0x6900  }
0xf6: {  	[tilespmem:s19], [sflag:$0x1] =	stream.indirect_vreg.gather [hbm4b:s4+s3], $0x80, v3, vm0, $0xb8;
	[tilespmem:$0x10100] =	vst v63  }
0xf7: {  	_ = 	snop  }
0xf8: {  	[tilespmem:s10], [sflag:$0x1] =	stream.indirect_vreg.gather [hbm4b:s5+s3], $0x80, v3, vm0, $0xb8;
	[tilespmem:$0x10100] =	vst v63  }
0xf9: {  	_ = 	snop  }
0xfa: {  	[tilespmem:s11], [sflag:$0x1] =	stream.indirect_vreg.gather [hbm4b:s6+s3], $0x80, v3, vm0, $0xb8;
	[tilespmem:$0x10100] =	vst v63  }
0xfb: {  	v3 =	vld [tilespmem:$0xA0];
	_ =	sdelay $0x4  }
0xfc: {  	v62 =	vshll.u32 v3, $0x3  }
0xfd: {  	v3 =	vand.u32 $0x7, v3;
	v4 =	vand.u32 $0xFFFFFFC0, v62  }
0xfe: {  	v3 =	vor.u32 v3, v4  }
0xff: {  	v4 =	vperm.xlane v3, v0;
	_ =	sdelay $0x1  }
0x100: {  	v4 =	vadd.s32 v1, v4;
	_ =	sdelay $0x4  }
0x101: {  	[tilespmem:s12], [sflag:$0x1] =	stream.indirect_vreg.gather [hbm4b:s2+s3], $0x80, v4, vm0, $0xb8;
	[tilespmem:$0x10100] =	vst v63  }
0x102: {  	v3 =	vperm.xlane v3, v2  }
0x103: {  	[tilespmem:s13], [sflag:$0x1] =	stream.indirect_vreg.gather [hbm4b:s4+s3], $0x80, v4, vm0, $0xb8;
	[tilespmem:$0x10100] =	vst v63  }
0x104: {  	v3 =	vadd.s32 v1, v3  }
0x105: {  	[tilespmem:s14], [sflag:$0x1] =	stream.indirect_vreg.gather [hbm4b:s5+s3], $0x80, v4, vm0, $0xb8;
	[tilespmem:$0x10100] =	vst v63  }
0x106: {  	_ = 	snop  }
0x107: {  	[tilespmem:s15], [sflag:$0x1] =	stream.indirect_vreg.gather [hbm4b:s6+s3], $0x80, v4, vm0, $0xb8;
	[tilespmem:$0x10100] =	vst v63  }
0x108: {  	_ = 	snop  }
0x109: {  	[tilespmem:s16], [sflag:$0x1] =	stream.indirect_vreg.gather [hbm4b:s2+s3], $0x80, v3, vm0, $0xb8;
	[tilespmem:$0x10100] =	vst v63  }
0x10a: {  	_ = 	snop  }
0x10b: {  	[tilespmem:s17], [sflag:$0x1] =	stream.indirect_vreg.gather [hbm4b:s4+s3], $0x80, v3, vm0, $0xb8;
	[tilespmem:$0x10100] =	vst v63  }
0x10c: {  	_ = 	snop  }
0x10d: {  	[tilespmem:s9], [sflag:$0x1] =	stream.indirect_vreg.gather [hbm4b:s5+s3], $0x80, v3, vm0, $0xb8;
	[tilespmem:$0x10100] =	vst v63  }
0x10e: {  	s19 =	simm.s32 $0xB900  }
0x10f: {  	[tilespmem:s19], [sflag:$0x1] =	stream.indirect_vreg.gather [hbm4b:s6+s3], $0x80, v3, vm0, $0xb8;
	[tilespmem:$0x10100] =	vst v63  }
0x110: {  	v3 =	vld [tilespmem:$0xB0];
	_ =	sdelay $0x4  }
0x111: {  	v63 =	vshll.u32 v3, $0x3  }
0x112: {  	v3 =	vand.u32 $0x7, v3;
	v4 =	vand.u32 $0xFFFFFFC0, v63  }
0x113: {  	v3 =	vor.u32 v3, v4  }
0x114: {  	v4 =	vperm.xlane v3, v0;
	_ =	sdelay $0x1  }
0x115: {  	v4 =	vadd.s32 v1, v4;
	_ =	sdelay $0x3  }
0x116: {  	s9 =	simm.s32 $0xC100  }
0x117: {  	[tilespmem:s9], [sflag:$0x1] =	stream.indirect_vreg.gather [hbm4b:s2+s3], $0x80, v4, vm0, $0xb8;
	[tilespmem:$0x10100] =	vst v63  }
0x118: {  	s19 =	simm.s32 $0xC900;
	v3 =	vperm.xlane v3, v2  }
0x119: {  	[tilespmem:s19], [sflag:$0x1] =	stream.indirect_vreg.gather [hbm4b:s4+s3], $0x80, v4, vm0, $0xb8;
	[tilespmem:$0x10100] =	vst v63  }
0x11a: {  	v3 =	vadd.s32 v1, v3;
	s9 =	simm.s32 $0xD100  }
0x11b: {  	[tilespmem:s9], [sflag:$0x1] =	stream.indirect_vreg.gather [hbm4b:s5+s3], $0x80, v4, vm0, $0xb8;
	[tilespmem:$0x10100] =	vst v63  }
0x11c: {  	s19 =	simm.s32 $0xD900  }
0x11d: {  	[tilespmem:s19], [sflag:$0x1] =	stream.indirect_vreg.gather [hbm4b:s6+s3], $0x80, v4, vm0, $0xb8;
	[tilespmem:$0x10100] =	vst v63  }
0x11e: {  	s9 =	simm.s32 $0xE100  }
0x11f: {  	[tilespmem:s9], [sflag:$0x1] =	stream.indirect_vreg.gather [hbm4b:s2+s3], $0x80, v3, vm0, $0xb8;
	[tilespmem:$0x10100] =	vst v63  }
0x120: {  	s19 =	simm.s32 $0xE900  }
0x121: {  	[tilespmem:s19], [sflag:$0x1] =	stream.indirect_vreg.gather [hbm4b:s4+s3], $0x80, v3, vm0, $0xb8;
	[tilespmem:$0x10100] =	vst v63  }
0x122: {  	s9 =	simm.s32 $0xF100  }
0x123: {  	[tilespmem:s9], [sflag:$0x1] =	stream.indirect_vreg.gather [hbm4b:s5+s3], $0x80, v3, vm0, $0xb8;
	[tilespmem:$0x10100] =	vst v63  }
0x124: {  	s19 =	simm.s32 $0xF900  }
0x125: {  	[tilespmem:s19], [sflag:$0x1] =	stream.indirect_vreg.gather [hbm4b:s6+s3], $0x80, v3, vm0, $0xb8;
	[tilespmem:$0x10100] =	vst v63  }
0x126: {  	_ =	swait.ge [sflag:s18], $0x10000  }
0x127: {  	p0 =	sne.s32 s7, $0x1;
	[sflag:s18] =	ssyncset.done $0x0  }
.Ltmp0:
0x128: {  	s9 =	rddreg [dreg:$0x6];
	[sflag:s18] =	ssyncadd.s32 $0xFFFF0000;
	(pc) =	sbr.rel @p0 .LBB2_1-.Ltmp0, $4  }
0x129: {  	[hbm4b:s9+s3] =	stream.linear.scatter [tilespmem:s0], [sflag:$0x2], $0x10000, $0x38;
	[tilespmem:$0x10100] =	vst v63  }
0x12a: {  	_ =	swait.ge [sflag:s8], $0x10000  }
0x12b: {  	[sflag:s8] =	ssyncset.done $0x0  }
0x12c: {  	s7 =	sadd.s32 $0xFFFFFFFF, s7;
	[sflag:s8] =	ssyncadd.s32 $0xFFFF0000  }
0x12d: {  	_ =	sfence.sel $0x180000  }
0x12e: {  	[bflag:$0x0] =	sbarrier.arrive $0xFFFF  }
0x12f: {  	_ =	strace $0x9000004A  }
0x130: {  	s0 =	stileid.u32;
	[bflag:$0x2] =	sbarrier.arrive $0xFFFF  }
0x131: {  	p0 =	sne.s32 s0, $0x0;
	s0 =	rddreg [dreg:$0x2]  }
0x132: {  	s0 =	sadd.s32 @!p0 $0x100000, s0  }
0x133: {  	[sflag:s0] =	ssyncadd.tile.s32 @!p0 $0x1;
	_ =	shalt  }
.Lfunc_end2:
_tile_overlayer_lowered:
.L_overlay_start_2:
0x134: {  	(tag) =	ssettag $0x2  }
0x135: {  	s0 =	rddreg [dreg:$0x0];
	s2 =	stileid.u32  }
0x136: {  	s1 =	rddreg [dreg:$0x1];
	p0 =	sne.s32 s2, $0x0  }
0x137: {  	s3 =	rddreg [dreg:$0x2];
	[bflag:$0x3] =	sbarrier.arrive $0xFFFF;
	s2 =	simm.s32 @!p0 $0x1C02  }
0x138: {  	[timem:s3], [sflag:s2] =	dma.local @!p0 [hbm:s0], s1  }
0x139: {  	s0 =	simm.s32 @!p0 $0x2  }
0x13a: {  	_ =	swait.ge @!p0 [sflag:s0], s1  }
0x13b: {  	s1 =	ssub.s32 @!p0 $0x0, s1;
	[sflag:s0] =	ssyncset.done @!p0 $0x0  }
0x13c: {  	[sflag:s0] =	ssyncadd.s32 @!p0 s1  }
0x13d: {  	[bflag:$0x3] =	sbarrier.arrive $0xFFFF  }
0x13e: {  	_ =	shalt  }

// kernel: kernel.14.cloned.1.call-start
scs
__scs_entry_jumppad:
0x0: {  	(pc) =	sbr.rel $0x88, $3  }
0x1: {  	(tag) =	ssettag $0x0;
	lr =	simm.s32 $0x1  }
0x2: {  	[smem:$0x3F98] =	sst lr;
	_ =	strace $0xD0000000  }
0x3: {  	_ = 	snop  }
0x4: {  	_ = 	snop  }
0x5: {  	_ = 	snop  }
0x6: {  	_ = 	snop  }
0x7: {  	_ = 	snop  }
__scs_overlays_trampoline_lowered:
0x8: {  	[smem:$0x3FA7] =	sst s0  }
0x9: {  	[smem:$0x3FA8] =	sst s1  }
0xa: {  	[smem:$0x3FA9] =	sst s2  }
0xb: {  	[smem:$0x3FAA] =	sst s3  }
0xc: {  	[smem:$0x3FAB] =	sst s4  }
0xd: {  	[smem:$0x3FAC] =	sst s5  }
0xe: {  	[smem:$0x3FAD] =	sst s6  }
0xf: {  	[smem:$0x3FAE] =	sst s7  }
0x10: {  	[smem:$0x3FAF] =	sst s8  }
0x11: {  	[smem:$0x3FB0] =	sst s9;
	s0 =	simm.s32 @!p0 $0x0  }
0x12: {  	s1 =	sld [smem:$0x3F96];
	s0 =	simm.s32 @p0 $0x1  }
0x13: {  	[smem:$0x3FB1] =	sst s0;
	s0 =	simm.s32 @!p1 $0x0  }
0x14: {  	s2 =	sld [smem:$0x3F95];
	s0 =	simm.s32 @p1 $0x1  }
0x15: {  	[smem:$0x3FB2] =	sst s0;
	s0 =	simm.s32 @!p2 $0x0  }
0x16: {  	s3 =	sld [smem:$0x3FDB];
	s0 =	simm.s32 @p2 $0x1  }
0x17: {  	s4 =	simm.s32 $0x1BF5;
	[smem:$0x3FB4] =	sst s0  }
0x18: {  	s0 =	sld [smem:$0x3F97];
	_ =	swait.ge [sflag:s4], $0x0  }
0x19: {  	s7 =	sld [smem:$0x3F98]  }
0x1a: {  	s8 =	sadd.s32 $0xFFFFE003, lr  }
0x1b: {  	s9 =	sadd.s32 $0xFFFFFEF7, lr;
	s5 =	simm.s32 $0xFFFFFFFF;
	p2 =	slt.u32 s8, $0xFFFFF086  }
0x1c: {  	p1 =	slt.u32 s9, $0xF7A;
	s5 =	simm.s32 @!p2 $0x0  }
0x1d: {  	s5 =	simm.s32 @p1 $0x1;
	p0 =	seq.s32 s7, s2  }
0x1e: {  	s7 =	smul.u32 @!p0 $0xF7A, s2;
	p2 =	seq.s32 @!p0 s5, $0x0  }
0x1f: {  	s9 =	smul.u32 $0xF7A, s1;
	s8 =	simm.s32 @!p0 $0x1BF5;
	p2 =	por !p2, p0  }
0x20: {  	[sflag:s8] =	ssyncset.s32 @!p0 $0xFFFFF086;
	s6 =	sadd.s32 @!p0 s3, s7;
	s7 =	simm.s32 @!p0 $0x108  }
0x21: {  	s3 =	sadd.s32 s3, s9;
	s6 =	sadd.s32 @!p0 $0x88, s6;
	s7 =	simm.s32 @p2 $0x1082  }
0x22: {  	[simem:s7], [sflag:s8] =	dma.local @!p0 [hbm:s6], $0xF7A  }
0x23: {  	s9 =	sor.u32 $0xD0000000, s2;
	s6 =	simm.s32 $0x108;
	_ =	swait.ge @!p0 [sflag:s8], $0x0  }
0x24: {  	s3 =	sadd.s32 $0x88, s3;
	s6 =	simm.s32 @!p1 $0x1082;
	[sflag:s4] =	ssyncset.s32 $0xFFFFF086  }
0x25: {  	[simem:s6], [sflag:s4] =	dma.local [hbm:s3], $0xF7A  }
0x26: {  	[smem:$0x3F98] =	sst s1;
	(tag) =	ssettag s2;
	_ =	strace s9  }
0x27: {  	s1 =	sld [smem:$0x3FA8]  }
0x28: {  	s2 =	sld [smem:$0x3FA9]  }
0x29: {  	s4 =	sld [smem:$0x3FAB]  }
0x2a: {  	p0 =	seq.s32 s5, $0x0;
	s5 =	sld [smem:$0x3FAC]  }
0x2b: {  	s6 =	sld [smem:$0x3FAD]  }
0x2c: {  	s7 =	sld [smem:$0x3FAE]  }
0x2d: {  	s3 =	simm.s32 $0x108;
	s8 =	sld [smem:$0x3FAF]  }
0x2e: {  	s3 =	simm.s32 @!p0 $0x1082;
	s9 =	sld [smem:$0x3FB0]  }
0x2f: {  	lr =	sadd.s32 s0, s3;
	s0 =	sld [smem:$0x3FA7]  }
0x30: {  	s3 =	sld [smem:$0x3FAA]  }
0x31: {  	[smem:$0x3FB3] =	sst s10  }
0x32: {  	s10 =	sld [smem:$0x3FB1];
	_ =	sdelay $0x3  }
0x33: {  	p0 =	seq.s32 s10, $0x1;
	s10 =	sld [smem:$0x3FB3];
	_ =	sdelay $0x3  }
0x34: {  	[smem:$0x3FB3] =	sst s10  }
0x35: {  	s10 =	sld [smem:$0x3FB2];
	_ =	sdelay $0x3  }
0x36: {  	p1 =	seq.s32 s10, $0x1;
	s10 =	sld [smem:$0x3FB3];
	_ =	sdelay $0x3  }
0x37: {  	[smem:$0x3FB3] =	sst s10  }
0x38: {  	s10 =	sld [smem:$0x3FB4]  }
0x39: {  	_ = 	snop;
	(pc) =	sbr.ind lr, $3  }
0x3a: {  	_ = 	snop  }
0x3b: {  	_ = 	snop  }
0x3c: {  	p2 =	seq.s32 s10, $0x1;
	s10 =	sld [smem:$0x3FB3]  }
0x3d: {  	_ =	shalt  }
0x3e: {  	_ =	shalt  }
0x3f: {  	_ =	shalt  }
0x40: {  	_ =	shalt  }
0x41: {  	_ =	shalt  }
0x42: {  	_ =	shalt  }
0x43: {  	_ =	shalt  }
0x44: {  	_ =	shalt  }
0x45: {  	_ =	shalt  }
0x46: {  	_ =	shalt  }
0x47: {  	_ =	shalt  }
0x48: {  	_ =	shalt  }
0x49: {  	_ =	shalt  }
0x4a: {  	_ =	shalt  }
0x4b: {  	_ =	shalt  }
0x4c: {  	_ =	shalt  }
0x4d: {  	_ =	shalt  }
0x4e: {  	_ =	shalt  }
0x4f: {  	_ =	shalt  }
0x50: {  	_ =	shalt  }
0x51: {  	_ =	shalt  }
0x52: {  	_ =	shalt  }
0x53: {  	_ =	shalt  }
0x54: {  	_ =	shalt  }
0x55: {  	_ =	shalt  }
0x56: {  	_ =	shalt  }
0x57: {  	_ =	shalt  }
0x58: {  	_ =	shalt  }
0x59: {  	_ =	shalt  }
0x5a: {  	_ =	shalt  }
0x5b: {  	_ =	shalt  }
0x5c: {  	_ =	shalt  }
0x5d: {  	_ =	shalt  }
0x5e: {  	_ =	shalt  }
0x5f: {  	_ =	shalt  }
0x60: {  	_ =	shalt  }
0x61: {  	_ =	shalt  }
0x62: {  	_ =	shalt  }
0x63: {  	_ =	shalt  }
0x64: {  	_ =	shalt  }
0x65: {  	_ =	shalt  }
0x66: {  	_ =	shalt  }
0x67: {  	_ =	shalt  }
0x68: {  	_ =	shalt  }
0x69: {  	_ =	shalt  }
0x6a: {  	_ =	shalt  }
0x6b: {  	_ =	shalt  }
0x6c: {  	_ =	shalt  }
0x6d: {  	_ =	shalt  }
0x6e: {  	_ =	shalt  }
0x6f: {  	_ =	shalt  }
0x70: {  	_ =	shalt  }
0x71: {  	_ =	shalt  }
0x72: {  	_ =	shalt  }
0x73: {  	_ =	shalt  }
0x74: {  	_ =	shalt  }
0x75: {  	_ =	shalt  }
0x76: {  	_ =	shalt  }
0x77: {  	_ =	shalt  }
0x78: {  	_ =	shalt  }
0x79: {  	_ =	shalt  }
0x7a: {  	_ =	shalt  }
0x7b: {  	_ =	shalt  }
0x7c: {  	_ =	shalt  }
0x7d: {  	_ =	shalt  }
0x7e: {  	_ =	shalt  }
0x7f: {  	_ =	shalt  }
0x80: {  	_ =	shalt  }
0x81: {  	_ =	shalt  }
0x82: {  	_ =	shalt  }
0x83: {  	_ =	shalt  }
0x84: {  	_ =	shalt  }
0x85: {  	_ =	shalt  }
0x86: {  	_ =	shalt  }
0x87: {  	_ =	shalt  }
.Lfunc_end0:
.L_simem_size_0:
called_computation.2_lowered:
.L_overlay_start_0:
0x88: {  	s2 =	sld [smem:$0x3FD9]  }
0x89: {  	s3 =	sld [smem:$0x3FFE];
	_ =	sdelay $0x1  }
0x8a: {  	s1 =	srdreg.scid  }
0x8b: {  	s0 =	sand.u32 $0x1, s1  }
0x8c: {  	s16 =	sshll.u32 s0, $0xA;
	s2 =	sadd.s32 s3, s2  }
0x8d: {  	s2 =	sadd.s32 s2, s16  }
0x8e: {  	[smem:$0x3FBF] =	sst s2  }
0x8f: {  	_ = 	snop  }
0x90: {  	(tm) =	ssettm $0x1  }
0x91: {  	s17 =	sld [smem:$0x3FFB];
	_ =	sdelay $0x3  }
0x92: {  	_ =	strace s17  }
0x93: {  	s2 =	sld [smem:$0x3FFC];
	_ =	sdelay $0x3  }
0x94: {  	_ =	strace s2  }
0x95: {  	s2 =	sld [smem:$0x3FFD];
	_ =	sdelay $0x3  }
0x96: {  	_ =	strace s2  }
0x97: {  	_ =	strace $0x8FFFFFFF  }
0x98: {  	s18 =	sld [smem:$0x3FDB];
	_ =	sdelay $0x1  }
0x99: {  	s19 =	simm.s32 $_scs_section_size  }
0x9a: {  	s4 =	simm.s32 $_size__tile_overlayer_lowered;
	s5 =	simm.s32 $_tile_overlayer_lowered  }
0x9b: {  	s22 =	simm.s32 $0x1BFF;
	s21 =	sshll.u32 s5, $0x1;
	s2 =	sadd.s32 s19, s18  }
0x9c: {  	s6 =	simm.s32 $0x0;
	s20 =	sshll.u32 s4, $0x1;
	s4 =	sadd.s32 s21, s2  }
0x9d: {  	[timem:s6], [sflag:s22] =	dma.local [hbm:s4], s20  }
0x9e: {  	_ =	swait.ge [sflag:s22], s20  }
0x9f: {  	s3 =	ssub.s32 $0x0, s20;
	[sflag:s22] =	ssyncset.done $0x0  }
0xa0: {  	[sflag:s22] =	ssyncadd.s32 s3;
	_ =	sdelay $0x1  }
0xa1: {  	s23 =	simm.s32 $0x1B8B  }
0xa2: {  	_ =	swait.ge [sflag:s23], $0x1  }
0xa3: {  	[sflag:s23] =	ssyncset.done $0x0  }
0xa4: {  	s25 =	simm.s32 $0x1B8E;
	s24 =	sld [smem:$0x3FFE];
	[sflag:s23] =	ssyncadd.s32 $0xFFFFFFFF  }
0xa5: {  	s26 =	simm.s32 $execute0_lowered;
	[smem:$0x3FD2] =	sst s25  }
0xa6: {  	s4 =	sshll.u32 s26, $0x1;
	_ =	strace $0x8000004C;
	[dreg:$0x1] =	wrdreg $0xFFFFFFFF  }
0xa7: {  	s28 =	simm.s32 $_size_execute0_lowered;
	s2 =	sadd.s32 s2, s4;
	[dreg:$0x0] =	wrdreg $0x0  }
0xa8: {  	s4 =	sshll.u32 s28, $0x1;
	[dreg:$0x2] =	wrdreg s2  }
0xa9: {  	[dreg:$0x3] =	wrdreg s4  }
0xaa: {  	[dreg:$0x4] =	wrdreg $0xC0  }
0xab: {  	_ =	task [dreg:s6], $0x5FFFF  }
0xac: {  	[dreg:$0x1] =	wrdreg $0xFFFFFFFF  }
0xad: {  	[dreg:$0x0] =	wrdreg $0x60  }
0xae: {  	[dreg:$0x2] =	wrdreg s24  }
0xaf: {  	[dreg:$0x3] =	wrdreg $0x9  }
0xb0: {  	_ =	task.clear_ibuf [dreg:s6], $0x4FFFF;
	_ =	strace $0x9000004C  }
0xb1: {  	s29 =	simm.s32 $0x9;
	_ =	strace $0x8000004E  }
0xb2: {  	_ =	swait.ge [sflag:s29], $0x1  }
0xb3: {  	[sflag:s29] =	ssyncadd.s32 $0xFFFFFFFF  }
0xb4: {  	_ =	strace $0x9000004E  }
0xb5: {  	_ =	sfence  }
0xb6: {  	s30 =	sld [smem:$0x0];
	_ =	sdelay $0x2  }
0xb7: {  	s31 =	sshll.u32 s1, $0xD;
	s1 =	sshrl.u32 s1, $0x2  }
0xb8: {  	s3 =	sand.u32 $0x4000, s31;
	s1 =	sadd.s32 s1, s30  }
0xb9: {  	s0 =	sor.u32 s3, s0;
	s1 =	sshll.u32 s1, $0x11  }
0xba: {  	s0 =	sor.u32 s1, s0  }
0xbb: {  	s0 =	sadd.s32 $0x8F2B, s0  }
0xbc: {  	[sflag:s0] =	ssyncadd.remote.s32 $0x1  }
0xbd: {  	_ =	sfence.sel $0xFFFF  }
0xbe: {  	[dreg:$0x0] =	wrdreg $0xFFFFFFFF;
	(pc) =	sbr.abs _section_cstart, $3  }
0xbf: {  	[dreg:$0x1] =	wrdreg $0xFFFFFFFF  }
0xc0: {  	_ =	task.clear_ibuf [dreg:s6], $0x2FFFF;
	_ =	strace $0x9FFFFFFF  }
0xc1: {  	(tm) =	ssettm $0x7FFFFFFF  }
tec
execute0_lowered:
.L_overlay_start_1:
0x0: {  	(tag) =	ssettag $0x1  }
0x1: {  	s0 =	rddreg [dreg:$0x0]  }
0x2: {  	s1 =	srdreg.scid;
	s3 =	stileid.u32  }
0x3: {  	s2 =	simm.s32 $0x0;
	s18 =	simm.s32 $0x1;
	s20 =	simm.s32 $0x880  }
0x4: {  	s21 =	simm.s32 $0x1080;
	s22 =	simm.s32 $0x1880;
	s23 =	simm.s32 $0x2080  }
0x5: {  	s24 =	simm.s32 $0x2880;
	s25 =	simm.s32 $0x3080;
	s28 =	simm.s32 $0x4080  }
0x6: {  	s29 =	simm.s32 $0x4880;
	s30 =	simm.s32 $0x5080;
	s31 =	simm.s32 $0x5880  }
0x7: {  	s10 =	simm.s32 $0x7080;
	s11 =	simm.s32 $0x7880;
	s12 =	simm.s32 $0x8080  }
0x8: {  	s13 =	simm.s32 $0x8880;
	s14 =	simm.s32 $0x9080;
	s15 =	simm.s32 $0x9880  }
0x9: {  	s16 =	simm.s32 $0xA080;
	s17 =	simm.s32 $0xA880;
	s1 =	sand.u32 $0x1, s1  }
0xa: {  	s3 =	sshll.u32 s3, $0x8;
	[smem:$0x7FF] =	sst s2;
	s4 =	sshll.u32 s1, $0x7  }
0xb: {  	s9 =	simm.s32 $0xB080;
	_ =	strace $0x8000004D;
	s4 =	sor.u32 s4, s3  }
0xc: {  	s1 =	ssub.s32 $0x2, s1;
	s3 =	sadd.s32 $0xC4200, s0;
	s5 =	sshrl.u32 s4, $0x3  }
0xd: {  	s6 =	sshrl.u32 s1, $0x1;
	s4 =	sshll.u32 s4, $0x7;
	s5 =	sadd.s32 s5, s0  }
0xe: {  	s1 =	ssub.s32 s1, s6;
	s7 =	sadd.s32 s4, s0;
	s5 =	sadd.s32 $0x3000, s5  }
0xf: {  	s6 =	sadd.s32 $0xC4500, s0;
	s8 =	sadd.s32 $0x3200, s7;
	[dreg:$0x2] =	wrdreg s5  }
0x10: {  	v2 =	vlaneseq.u32;
	s4 =	sadd.s32 $0xC4300, s0;
	s26 =	sadd.s32 $0x5200, s7;
	[dreg:$0x3] =	wrdreg s8  }
0x11: {  	vm0 =	vmmov $0xffff;
	v1 =	vshrl.u32 v2, $0x3;
	s7 =	smax.u32 s1, $0x1;
	s5 =	sadd.s32 $0xC4400, s0;
	[dreg:$0x4] =	wrdreg s26  }
0x12: {  	v0 =	vand.u32 $0x7, v2;
	v2 =	vor.u32 $0x8, v2;
	v1 =	vmul.u32 $0x8, v1;
	s8 =	simm.s32 $0x2;
	s0 =	simm.s32 $0x80;
	s26 =	simm.s32 $0x3880  }
.LBB2_1:
0x13: {  	s19 =	rddreg [dreg:$0x2]  }
0x14: {  	[tilespmem:s2], [sflag:$0x2] =	stream.linear.gather [hbm4b:s19+s2], $0x80, $0x38;
	[tilespmem:$0x10080] =	vst v63  }
0x15: {  	_ =	swait.ge [sflag:s8], $0x80  }
0x16: {  	[sflag:s8] =	ssyncset.done $0x0  }
0x17: {  	[sflag:s8] =	ssyncadd.s32 $0xFFFFFF80  }
0x18: {  	v3 =	vld [tilespmem:$0x0];
	_ =	sdelay $0x4  }
0x19: {  	v4 =	vshll.u32 v3, $0x3  }
0x1a: {  	v3 =	vand.u32 $0x7, v3;
	v4 =	vand.u32 $0xFFFFFFC0, v4  }
0x1b: {  	v3 =	vor.u32 v3, v4  }
0x1c: {  	v4 =	vperm.xlane v3, v0;
	_ =	sdelay $0x1  }
0x1d: {  	v4 =	vadd.s32 v1, v4;
	_ =	sdelay $0x4  }
0x1e: {  	[tilespmem:s0], [sflag:$0x1] =	stream.indirect_vreg.gather [hbm4b:s3+s2], $0x80, v4, vm0, $0xb8;
	[tilespmem:$0x10080] =	vst v63  }
0x1f: {  	v3 =	vperm.xlane v3, v2  }
0x20: {  	[tilespmem:s20], [sflag:$0x1] =	stream.indirect_vreg.gather [hbm4b:s4+s2], $0x80, v4, vm0, $0xb8;
	[tilespmem:$0x10080] =	vst v63  }
0x21: {  	v3 =	vadd.s32 v1, v3  }
0x22: {  	[tilespmem:s21], [sflag:$0x1] =	stream.indirect_vreg.gather [hbm4b:s5+s2], $0x80, v4, vm0, $0xb8;
	[tilespmem:$0x10080] =	vst v63  }
0x23: {  	_ = 	snop  }
0x24: {  	[tilespmem:s22], [sflag:$0x1] =	stream.indirect_vreg.gather [hbm4b:s6+s2], $0x80, v4, vm0, $0xb8;
	[tilespmem:$0x10080] =	vst v63  }
0x25: {  	_ = 	snop  }
0x26: {  	[tilespmem:s23], [sflag:$0x1] =	stream.indirect_vreg.gather [hbm4b:s3+s2], $0x80, v3, vm0, $0xb8;
	[tilespmem:$0x10080] =	vst v63  }
0x27: {  	_ = 	snop  }
0x28: {  	[tilespmem:s24], [sflag:$0x1] =	stream.indirect_vreg.gather [hbm4b:s4+s2], $0x80, v3, vm0, $0xb8;
	[tilespmem:$0x10080] =	vst v63  }
0x29: {  	_ = 	snop  }
0x2a: {  	[tilespmem:s25], [sflag:$0x1] =	stream.indirect_vreg.gather [hbm4b:s5+s2], $0x80, v3, vm0, $0xb8;
	[tilespmem:$0x10080] =	vst v63  }
0x2b: {  	_ = 	snop  }
0x2c: {  	[tilespmem:s26], [sflag:$0x1] =	stream.indirect_vreg.gather [hbm4b:s6+s2], $0x80, v3, vm0, $0xb8;
	[tilespmem:$0x10080] =	vst v63  }
0x2d: {  	v3 =	vld [tilespmem:$0x10];
	_ =	sdelay $0x4  }
0x2e: {  	v57 =	vshll.u32 v3, $0x3  }
0x2f: {  	v3 =	vand.u32 $0x7, v3;
	v4 =	vand.u32 $0xFFFFFFC0, v57  }
0x30: {  	v3 =	vor.u32 v3, v4  }
0x31: {  	v4 =	vperm.xlane v3, v0;
	_ =	sdelay $0x1  }
0x32: {  	v4 =	vadd.s32 v1, v4;
	_ =	sdelay $0x4  }
0x33: {  	[tilespmem:s28], [sflag:$0x1] =	stream.indirect_vreg.gather [hbm4b:s3+s2], $0x80, v4, vm0, $0xb8;
	[tilespmem:$0x10080] =	vst v63  }
0x34: {  	v3 =	vperm.xlane v3, v2  }
0x35: {  	[tilespmem:s29], [sflag:$0x1] =	stream.indirect_vreg.gather [hbm4b:s4+s2], $0x80, v4, vm0, $0xb8;
	[tilespmem:$0x10080] =	vst v63  }
0x36: {  	v3 =	vadd.s32 v1, v3  }
0x37: {  	[tilespmem:s30], [sflag:$0x1] =	stream.indirect_vreg.gather [hbm4b:s5+s2], $0x80, v4, vm0, $0xb8;
	[tilespmem:$0x10080] =	vst v63  }
0x38: {  	_ = 	snop  }
0x39: {  	[tilespmem:s31], [sflag:$0x1] =	stream.indirect_vreg.gather [hbm4b:s6+s2], $0x80, v4, vm0, $0xb8;
	[tilespmem:$0x10080] =	vst v63  }
0x3a: {  	s1 =	simm.s32 $0x6080  }
0x3b: {  	[tilespmem:s1], [sflag:$0x1] =	stream.indirect_vreg.gather [hbm4b:s3+s2], $0x80, v3, vm0, $0xb8;
	[tilespmem:$0x10080] =	vst v63  }
0x3c: {  	s1 =	simm.s32 $0x6880  }
0x3d: {  	[tilespmem:s1], [sflag:$0x1] =	stream.indirect_vreg.gather [hbm4b:s4+s2], $0x80, v3, vm0, $0xb8;
	[tilespmem:$0x10080] =	vst v63  }
0x3e: {  	_ = 	snop  }
0x3f: {  	[tilespmem:s10], [sflag:$0x1] =	stream.indirect_vreg.gather [hbm4b:s5+s2], $0x80, v3, vm0, $0xb8;
	[tilespmem:$0x10080] =	vst v63  }
0x40: {  	_ = 	snop  }
0x41: {  	[tilespmem:s11], [sflag:$0x1] =	stream.indirect_vreg.gather [hbm4b:s6+s2], $0x80, v3, vm0, $0xb8;
	[tilespmem:$0x10080] =	vst v63  }
0x42: {  	v3 =	vld [tilespmem:$0x20];
	_ =	sdelay $0x4  }
0x43: {  	v58 =	vshll.u32 v3, $0x3  }
0x44: {  	v3 =	vand.u32 $0x7, v3;
	v4 =	vand.u32 $0xFFFFFFC0, v58  }
0x45: {  	v3 =	vor.u32 v3, v4  }
0x46: {  	v4 =	vperm.xlane v3, v0;
	_ =	sdelay $0x1  }
0x47: {  	v4 =	vadd.s32 v1, v4;
	_ =	sdelay $0x4  }
0x48: {  	[tilespmem:s12], [sflag:$0x1] =	stream.indirect_vreg.gather [hbm4b:s3+s2], $0x80, v4, vm0, $0xb8;
	[tilespmem:$0x10080] =	vst v63  }
0x49: {  	v3 =	vperm.xlane v3, v2  }
0x4a: {  	[tilespmem:s13], [sflag:$0x1] =	stream.indirect_vreg.gather [hbm4b:s4+s2], $0x80, v4, vm0, $0xb8;
	[tilespmem:$0x10080] =	vst v63  }
0x4b: {  	v3 =	vadd.s32 v1, v3  }
0x4c: {  	[tilespmem:s14], [sflag:$0x1] =	stream.indirect_vreg.gather [hbm4b:s5+s2], $0x80, v4, vm0, $0xb8;
	[tilespmem:$0x10080] =	vst v63  }
0x4d: {  	_ = 	snop  }
0x4e: {  	[tilespmem:s15], [sflag:$0x1] =	stream.indirect_vreg.gather [hbm4b:s6+s2], $0x80, v4, vm0, $0xb8;
	[tilespmem:$0x10080] =	vst v63  }
0x4f: {  	_ = 	snop  }
0x50: {  	[tilespmem:s16], [sflag:$0x1] =	stream.indirect_vreg.gather [hbm4b:s3+s2], $0x80, v3, vm0, $0xb8;
	[tilespmem:$0x10080] =	vst v63  }
0x51: {  	_ = 	snop  }
0x52: {  	[tilespmem:s17], [sflag:$0x1] =	stream.indirect_vreg.gather [hbm4b:s4+s2], $0x80, v3, vm0, $0xb8;
	[tilespmem:$0x10080] =	vst v63  }
0x53: {  	_ = 	snop  }
0x54: {  	[tilespmem:s9], [sflag:$0x1] =	stream.indirect_vreg.gather [hbm4b:s5+s2], $0x80, v3, vm0, $0xb8;
	[tilespmem:$0x10080] =	vst v63  }
0x55: {  	s19 =	simm.s32 $0xB880  }
0x56: {  	[tilespmem:s19], [sflag:$0x1] =	stream.indirect_vreg.gather [hbm4b:s6+s2], $0x80, v3, vm0, $0xb8;
	[tilespmem:$0x10080] =	vst v63  }
0x57: {  	v3 =	vld [tilespmem:$0x30];
	_ =	sdelay $0x4  }
0x58: {  	v59 =	vshll.u32 v3, $0x3  }
0x59: {  	v3 =	vand.u32 $0x7, v3;
	v4 =	vand.u32 $0xFFFFFFC0, v59  }
0x5a: {  	v3 =	vor.u32 v3, v4  }
0x5b: {  	v4 =	vperm.xlane v3, v0;
	_ =	sdelay $0x1  }
0x5c: {  	v4 =	vadd.s32 v1, v4;
	_ =	sdelay $0x3  }
0x5d: {  	s19 =	simm.s32 $0xC080  }
0x5e: {  	[tilespmem:s19], [sflag:$0x1] =	stream.indirect_vreg.gather [hbm4b:s3+s2], $0x80, v4, vm0, $0xb8;
	[tilespmem:$0x10080] =	vst v63  }
0x5f: {  	v3 =	vperm.xlane v3, v2;
	s19 =	simm.s32 $0xC880  }
0x60: {  	[tilespmem:s19], [sflag:$0x1] =	stream.indirect_vreg.gather [hbm4b:s4+s2], $0x80, v4, vm0, $0xb8;
	[tilespmem:$0x10080] =	vst v63  }
0x61: {  	v3 =	vadd.s32 v1, v3;
	s19 =	simm.s32 $0xD080  }
0x62: {  	[tilespmem:s19], [sflag:$0x1] =	stream.indirect_vreg.gather [hbm4b:s5+s2], $0x80, v4, vm0, $0xb8;
	[tilespmem:$0x10080] =	vst v63  }
0x63: {  	s19 =	simm.s32 $0xD880  }
0x64: {  	[tilespmem:s19], [sflag:$0x1] =	stream.indirect_vreg.gather [hbm4b:s6+s2], $0x80, v4, vm0, $0xb8;
	[tilespmem:$0x10080] =	vst v63  }
0x65: {  	s19 =	simm.s32 $0xE080  }
0x66: {  	[tilespmem:s19], [sflag:$0x1] =	stream.indirect_vreg.gather [hbm4b:s3+s2], $0x80, v3, vm0, $0xb8;
	[tilespmem:$0x10080] =	vst v63  }
0x67: {  	s19 =	simm.s32 $0xE880  }
0x68: {  	[tilespmem:s19], [sflag:$0x1] =	stream.indirect_vreg.gather [hbm4b:s4+s2], $0x80, v3, vm0, $0xb8;
	[tilespmem:$0x10080] =	vst v63  }
0x69: {  	s19 =	simm.s32 $0xF080  }
0x6a: {  	[tilespmem:s19], [sflag:$0x1] =	stream.indirect_vreg.gather [hbm4b:s5+s2], $0x80, v3, vm0, $0xb8;
	[tilespmem:$0x10080] =	vst v63  }
0x6b: {  	s19 =	simm.s32 $0xF880  }
0x6c: {  	[tilespmem:s19], [sflag:$0x1] =	stream.indirect_vreg.gather [hbm4b:s6+s2], $0x80, v3, vm0, $0xb8;
	[tilespmem:$0x10080] =	vst v63  }
0x6d: {  	_ =	swait.ge [sflag:s18], $0x10000  }
0x6e: {  	[sflag:s18] =	ssyncset.done $0x0  }
0x6f: {  	s19 =	rddreg [dreg:$0x3];
	[sflag:s18] =	ssyncadd.s32 $0xFFFF0000  }
0x70: {  	[hbm4b:s19+s2] =	stream.linear.scatter [tilespmem:s0], [sflag:$0x2], $0x10000, $0x38;
	[tilespmem:$0x10080] =	vst v63  }
0x71: {  	_ =	swait.ge [sflag:s8], $0x10000  }
0x72: {  	[sflag:s8] =	ssyncset.done $0x0  }
0x73: {  	[sflag:s8] =	ssyncadd.s32 $0xFFFF0000  }
0x74: {  	v3 =	vld [tilespmem:$0x40];
	_ =	sdelay $0x4  }
0x75: {  	v60 =	vshll.u32 v3, $0x3  }
0x76: {  	v3 =	vand.u32 $0x7, v3;
	v4 =	vand.u32 $0xFFFFFFC0, v60  }
0x77: {  	v3 =	vor.u32 v3, v4  }
0x78: {  	v4 =	vperm.xlane v3, v0;
	_ =	sdelay $0x1  }
0x79: {  	v4 =	vadd.s32 v1, v4;
	_ =	sdelay $0x4  }
0x7a: {  	[tilespmem:s0], [sflag:$0x1] =	stream.indirect_vreg.gather [hbm4b:s3+s2], $0x80, v4, vm0, $0xb8;
	[tilespmem:$0x10080] =	vst v63  }
0x7b: {  	v3 =	vperm.xlane v3, v2  }
0x7c: {  	[tilespmem:s20], [sflag:$0x1] =	stream.indirect_vreg.gather [hbm4b:s4+s2], $0x80, v4, vm0, $0xb8;
	[tilespmem:$0x10080] =	vst v63  }
0x7d: {  	v3 =	vadd.s32 v1, v3  }
0x7e: {  	[tilespmem:s21], [sflag:$0x1] =	stream.indirect_vreg.gather [hbm4b:s5+s2], $0x80, v4, vm0, $0xb8;
	[tilespmem:$0x10080] =	vst v63  }
0x7f: {  	_ = 	snop  }
0x80: {  	[tilespmem:s22], [sflag:$0x1] =	stream.indirect_vreg.gather [hbm4b:s6+s2], $0x80, v4, vm0, $0xb8;
	[tilespmem:$0x10080] =	vst v63  }
0x81: {  	_ = 	snop  }
0x82: {  	[tilespmem:s23], [sflag:$0x1] =	stream.indirect_vreg.gather [hbm4b:s3+s2], $0x80, v3, vm0, $0xb8;
	[tilespmem:$0x10080] =	vst v63  }
0x83: {  	_ = 	snop  }
0x84: {  	[tilespmem:s24], [sflag:$0x1] =	stream.indirect_vreg.gather [hbm4b:s4+s2], $0x80, v3, vm0, $0xb8;
	[tilespmem:$0x10080] =	vst v63  }
0x85: {  	_ = 	snop  }
0x86: {  	[tilespmem:s25], [sflag:$0x1] =	stream.indirect_vreg.gather [hbm4b:s5+s2], $0x80, v3, vm0, $0xb8;
	[tilespmem:$0x10080] =	vst v63  }
0x87: {  	_ = 	snop  }
0x88: {  	[tilespmem:s26], [sflag:$0x1] =	stream.indirect_vreg.gather [hbm4b:s6+s2], $0x80, v3, vm0, $0xb8;
	[tilespmem:$0x10080] =	vst v63  }
0x89: {  	v3 =	vld [tilespmem:$0x50];
	_ =	sdelay $0x4  }
0x8a: {  	v61 =	vshll.u32 v3, $0x3  }
0x8b: {  	v3 =	vand.u32 $0x7, v3;
	v4 =	vand.u32 $0xFFFFFFC0, v61  }
0x8c: {  	v3 =	vor.u32 v3, v4  }
0x8d: {  	v4 =	vperm.xlane v3, v0;
	_ =	sdelay $0x1  }
0x8e: {  	v4 =	vadd.s32 v1, v4;
	_ =	sdelay $0x4  }
0x8f: {  	[tilespmem:s28], [sflag:$0x1] =	stream.indirect_vreg.gather [hbm4b:s3+s2], $0x80, v4, vm0, $0xb8;
	[tilespmem:$0x10080] =	vst v63  }
0x90: {  	v3 =	vperm.xlane v3, v2  }
0x91: {  	[tilespmem:s29], [sflag:$0x1] =	stream.indirect_vreg.gather [hbm4b:s4+s2], $0x80, v4, vm0, $0xb8;
	[tilespmem:$0x10080] =	vst v63  }
0x92: {  	v3 =	vadd.s32 v1, v3  }
0x93: {  	[tilespmem:s30], [sflag:$0x1] =	stream.indirect_vreg.gather [hbm4b:s5+s2], $0x80, v4, vm0, $0xb8;
	[tilespmem:$0x10080] =	vst v63  }
0x94: {  	_ = 	snop  }
0x95: {  	[tilespmem:s31], [sflag:$0x1] =	stream.indirect_vreg.gather [hbm4b:s6+s2], $0x80, v4, vm0, $0xb8;
	[tilespmem:$0x10080] =	vst v63  }
0x96: {  	s19 =	simm.s32 $0x6080  }
0x97: {  	[tilespmem:s19], [sflag:$0x1] =	stream.indirect_vreg.gather [hbm4b:s3+s2], $0x80, v3, vm0, $0xb8;
	[tilespmem:$0x10080] =	vst v63  }
0x98: {  	_ = 	snop  }
0x99: {  	[tilespmem:s1], [sflag:$0x1] =	stream.indirect_vreg.gather [hbm4b:s4+s2], $0x80, v3, vm0, $0xb8;
	[tilespmem:$0x10080] =	vst v63  }
0x9a: {  	_ = 	snop  }
0x9b: {  	[tilespmem:s10], [sflag:$0x1] =	stream.indirect_vreg.gather [hbm4b:s5+s2], $0x80, v3, vm0, $0xb8;
	[tilespmem:$0x10080] =	vst v63  }
0x9c: {  	_ = 	snop  }
0x9d: {  	[tilespmem:s11], [sflag:$0x1] =	stream.indirect_vreg.gather [hbm4b:s6+s2], $0x80, v3, vm0, $0xb8;
	[tilespmem:$0x10080] =	vst v63  }
0x9e: {  	v3 =	vld [tilespmem:$0x60];
	_ =	sdelay $0x4  }
0x9f: {  	v62 =	vshll.u32 v3, $0x3  }
0xa0: {  	v3 =	vand.u32 $0x7, v3;
	v4 =	vand.u32 $0xFFFFFFC0, v62  }
0xa1: {  	v3 =	vor.u32 v3, v4  }
0xa2: {  	v4 =	vperm.xlane v3, v0;
	_ =	sdelay $0x1  }
0xa3: {  	v4 =	vadd.s32 v1, v4;
	_ =	sdelay $0x4  }
0xa4: {  	[tilespmem:s12], [sflag:$0x1] =	stream.indirect_vreg.gather [hbm4b:s3+s2], $0x80, v4, vm0, $0xb8;
	[tilespmem:$0x10080] =	vst v63  }
0xa5: {  	v3 =	vperm.xlane v3, v2  }
0xa6: {  	[tilespmem:s13], [sflag:$0x1] =	stream.indirect_vreg.gather [hbm4b:s4+s2], $0x80, v4, vm0, $0xb8;
	[tilespmem:$0x10080] =	vst v63  }
0xa7: {  	v3 =	vadd.s32 v1, v3  }
0xa8: {  	[tilespmem:s14], [sflag:$0x1] =	stream.indirect_vreg.gather [hbm4b:s5+s2], $0x80, v4, vm0, $0xb8;
	[tilespmem:$0x10080] =	vst v63  }
0xa9: {  	_ = 	snop  }
0xaa: {  	[tilespmem:s15], [sflag:$0x1] =	stream.indirect_vreg.gather [hbm4b:s6+s2], $0x80, v4, vm0, $0xb8;
	[tilespmem:$0x10080] =	vst v63  }
0xab: {  	_ = 	snop  }
0xac: {  	[tilespmem:s16], [sflag:$0x1] =	stream.indirect_vreg.gather [hbm4b:s3+s2], $0x80, v3, vm0, $0xb8;
	[tilespmem:$0x10080] =	vst v63  }
0xad: {  	_ = 	snop  }
0xae: {  	[tilespmem:s17], [sflag:$0x1] =	stream.indirect_vreg.gather [hbm4b:s4+s2], $0x80, v3, vm0, $0xb8;
	[tilespmem:$0x10080] =	vst v63  }
0xaf: {  	_ = 	snop  }
0xb0: {  	[tilespmem:s9], [sflag:$0x1] =	stream.indirect_vreg.gather [hbm4b:s5+s2], $0x80, v3, vm0, $0xb8;
	[tilespmem:$0x10080] =	vst v63  }
0xb1: {  	s19 =	simm.s32 $0xB880  }
0xb2: {  	[tilespmem:s19], [sflag:$0x1] =	stream.indirect_vreg.gather [hbm4b:s6+s2], $0x80, v3, vm0, $0xb8;
	[tilespmem:$0x10080] =	vst v63  }
0xb3: {  	v3 =	vld [tilespmem:$0x70];
	_ =	sdelay $0x4  }
0xb4: {  	v63 =	vshll.u32 v3, $0x3  }
0xb5: {  	v3 =	vand.u32 $0x7, v3;
	v4 =	vand.u32 $0xFFFFFFC0, v63  }
0xb6: {  	v3 =	vor.u32 v3, v4  }
0xb7: {  	v4 =	vperm.xlane v3, v0;
	_ =	sdelay $0x1  }
0xb8: {  	v4 =	vadd.s32 v1, v4;
	_ =	sdelay $0x3  }
0xb9: {  	s19 =	simm.s32 $0xC080  }
0xba: {  	[tilespmem:s19], [sflag:$0x1] =	stream.indirect_vreg.gather [hbm4b:s3+s2], $0x80, v4, vm0, $0xb8;
	[tilespmem:$0x10080] =	vst v63  }
0xbb: {  	v3 =	vperm.xlane v3, v2;
	s19 =	simm.s32 $0xC880  }
0xbc: {  	[tilespmem:s19], [sflag:$0x1] =	stream.indirect_vreg.gather [hbm4b:s4+s2], $0x80, v4, vm0, $0xb8;
	[tilespmem:$0x10080] =	vst v63  }
0xbd: {  	v3 =	vadd.s32 v1, v3;
	s19 =	simm.s32 $0xD080  }
0xbe: {  	[tilespmem:s19], [sflag:$0x1] =	stream.indirect_vreg.gather [hbm4b:s5+s2], $0x80, v4, vm0, $0xb8;
	[tilespmem:$0x10080] =	vst v63  }
0xbf: {  	s19 =	simm.s32 $0xD880  }
0xc0: {  	[tilespmem:s19], [sflag:$0x1] =	stream.indirect_vreg.gather [hbm4b:s6+s2], $0x80, v4, vm0, $0xb8;
	[tilespmem:$0x10080] =	vst v63  }
0xc1: {  	s19 =	simm.s32 $0xE080  }
0xc2: {  	[tilespmem:s19], [sflag:$0x1] =	stream.indirect_vreg.gather [hbm4b:s3+s2], $0x80, v3, vm0, $0xb8;
	[tilespmem:$0x10080] =	vst v63  }
0xc3: {  	s19 =	simm.s32 $0xE880  }
0xc4: {  	[tilespmem:s19], [sflag:$0x1] =	stream.indirect_vreg.gather [hbm4b:s4+s2], $0x80, v3, vm0, $0xb8;
	[tilespmem:$0x10080] =	vst v63  }
0xc5: {  	s19 =	simm.s32 $0xF080  }
0xc6: {  	[tilespmem:s19], [sflag:$0x1] =	stream.indirect_vreg.gather [hbm4b:s5+s2], $0x80, v3, vm0, $0xb8;
	[tilespmem:$0x10080] =	vst v63  }
0xc7: {  	s19 =	simm.s32 $0xF880  }
0xc8: {  	[tilespmem:s19], [sflag:$0x1] =	stream.indirect_vreg.gather [hbm4b:s6+s2], $0x80, v3, vm0, $0xb8;
	[tilespmem:$0x10080] =	vst v63  }
0xc9: {  	_ =	swait.ge [sflag:s18], $0x10000  }
0xca: {  	p0 =	sne.s32 s7, $0x1;
	[sflag:s18] =	ssyncset.done $0x0  }
.Ltmp0:
0xcb: {  	s1 =	rddreg [dreg:$0x4];
	[sflag:s18] =	ssyncadd.s32 $0xFFFF0000;
	(pc) =	sbr.rel @p0 .LBB2_1-.Ltmp0, $4  }
0xcc: {  	[hbm4b:s1+s2] =	stream.linear.scatter [tilespmem:s0], [sflag:$0x2], $0x10000, $0x38;
	[tilespmem:$0x10080] =	vst v63  }
0xcd: {  	_ =	swait.ge [sflag:s8], $0x10000  }
0xce: {  	[sflag:s8] =	ssyncset.done $0x0  }
0xcf: {  	s7 =	sadd.s32 $0xFFFFFFFF, s7;
	[sflag:s8] =	ssyncadd.s32 $0xFFFF0000  }
0xd0: {  	_ =	sfence.sel $0x180000  }
0xd1: {  	[bflag:$0x0] =	sbarrier.arrive $0xFFFF  }
0xd2: {  	_ =	strace $0x9000004D  }
0xd3: {  	s0 =	stileid.u32;
	[bflag:$0x2] =	sbarrier.arrive $0xFFFF  }
0xd4: {  	p0 =	sne.s32 s0, $0x0;
	s0 =	rddreg [dreg:$0x1]  }
0xd5: {  	s0 =	sadd.s32 @!p0 $0x100000, s0  }
0xd6: {  	[sflag:s0] =	ssyncadd.tile.s32 @!p0 $0x1;
	_ =	shalt  }
.Lfunc_end2:
_tile_overlayer_lowered:
.L_overlay_start_2:
0xd7: {  	(tag) =	ssettag $0x2  }
0xd8: {  	s0 =	rddreg [dreg:$0x0];
	s2 =	stileid.u32  }
0xd9: {  	s1 =	rddreg [dreg:$0x1];
	p0 =	sne.s32 s2, $0x0  }
0xda: {  	s3 =	rddreg [dreg:$0x2];
	[bflag:$0x3] =	sbarrier.arrive $0xFFFF;
	s2 =	simm.s32 @!p0 $0x1C02  }
0xdb: {  	[timem:s3], [sflag:s2] =	dma.local @!p0 [hbm:s0], s1  }
0xdc: {  	s0 =	simm.s32 @!p0 $0x2  }
0xdd: {  	_ =	swait.ge @!p0 [sflag:s0], s1  }
0xde: {  	s1 =	ssub.s32 @!p0 $0x0, s1;
	[sflag:s0] =	ssyncset.done @!p0 $0x0  }
0xdf: {  	[sflag:s0] =	ssyncadd.s32 @!p0 s1  }
0xe0: {  	[bflag:$0x3] =	sbarrier.arrive $0xFFFF  }
0xe1: {  	_ =	shalt  }

// kernel: kernel.8.cloned.1.call-start
scs
__scs_entry_jumppad:
0x0: {  	(pc) =	sbr.rel $0x88, $3  }
0x1: {  	(tag) =	ssettag $0x0;
	lr =	simm.s32 $0x1  }
0x2: {  	[smem:$0x3F98] =	sst lr;
	_ =	strace $0xD0000000  }
0x3: {  	_ = 	snop  }
0x4: {  	_ = 	snop  }
0x5: {  	_ = 	snop  }
0x6: {  	_ = 	snop  }
0x7: {  	_ = 	snop  }
__scs_overlays_trampoline_lowered:
0x8: {  	[smem:$0x3FA7] =	sst s0  }
0x9: {  	[smem:$0x3FA8] =	sst s1  }
0xa: {  	[smem:$0x3FA9] =	sst s2  }
0xb: {  	[smem:$0x3FAA] =	sst s3  }
0xc: {  	[smem:$0x3FAB] =	sst s4  }
0xd: {  	[smem:$0x3FAC] =	sst s5  }
0xe: {  	[smem:$0x3FAD] =	sst s6  }
0xf: {  	[smem:$0x3FAE] =	sst s7  }
0x10: {  	[smem:$0x3FAF] =	sst s8  }
0x11: {  	[smem:$0x3FB0] =	sst s9;
	s0 =	simm.s32 @!p0 $0x0  }
0x12: {  	s1 =	sld [smem:$0x3F96];
	s0 =	simm.s32 @p0 $0x1  }
0x13: {  	[smem:$0x3FB1] =	sst s0;
	s0 =	simm.s32 @!p1 $0x0  }
0x14: {  	s2 =	sld [smem:$0x3F95];
	s0 =	simm.s32 @p1 $0x1  }
0x15: {  	[smem:$0x3FB2] =	sst s0;
	s0 =	simm.s32 @!p2 $0x0  }
0x16: {  	s3 =	sld [smem:$0x3FDB];
	s0 =	simm.s32 @p2 $0x1  }
0x17: {  	s4 =	simm.s32 $0x1BF5;
	[smem:$0x3FB4] =	sst s0  }
0x18: {  	s0 =	sld [smem:$0x3F97];
	_ =	swait.ge [sflag:s4], $0x0  }
0x19: {  	s7 =	sld [smem:$0x3F98]  }
0x1a: {  	s8 =	sadd.s32 $0xFFFFE003, lr  }
0x1b: {  	s9 =	sadd.s32 $0xFFFFFEF7, lr;
	s5 =	simm.s32 $0xFFFFFFFF;
	p2 =	slt.u32 s8, $0xFFFFF086  }
0x1c: {  	p1 =	slt.u32 s9, $0xF7A;
	s5 =	simm.s32 @!p2 $0x0  }
0x1d: {  	s5 =	simm.s32 @p1 $0x1;
	p0 =	seq.s32 s7, s2  }
0x1e: {  	s7 =	smul.u32 @!p0 $0xF7A, s2;
	p2 =	seq.s32 @!p0 s5, $0x0  }
0x1f: {  	s9 =	smul.u32 $0xF7A, s1;
	s8 =	simm.s32 @!p0 $0x1BF5;
	p2 =	por !p2, p0  }
0x20: {  	[sflag:s8] =	ssyncset.s32 @!p0 $0xFFFFF086;
	s6 =	sadd.s32 @!p0 s3, s7;
	s7 =	simm.s32 @!p0 $0x108  }
0x21: {  	s3 =	sadd.s32 s3, s9;
	s6 =	sadd.s32 @!p0 $0x88, s6;
	s7 =	simm.s32 @p2 $0x1082  }
0x22: {  	[simem:s7], [sflag:s8] =	dma.local @!p0 [hbm:s6], $0xF7A  }
0x23: {  	s9 =	sor.u32 $0xD0000000, s2;
	s6 =	simm.s32 $0x108;
	_ =	swait.ge @!p0 [sflag:s8], $0x0  }
0x24: {  	s3 =	sadd.s32 $0x88, s3;
	s6 =	simm.s32 @!p1 $0x1082;
	[sflag:s4] =	ssyncset.s32 $0xFFFFF086  }
0x25: {  	[simem:s6], [sflag:s4] =	dma.local [hbm:s3], $0xF7A  }
0x26: {  	[smem:$0x3F98] =	sst s1;
	(tag) =	ssettag s2;
	_ =	strace s9  }
0x27: {  	s1 =	sld [smem:$0x3FA8]  }
0x28: {  	s2 =	sld [smem:$0x3FA9]  }
0x29: {  	s4 =	sld [smem:$0x3FAB]  }
0x2a: {  	p0 =	seq.s32 s5, $0x0;
	s5 =	sld [smem:$0x3FAC]  }
0x2b: {  	s6 =	sld [smem:$0x3FAD]  }
0x2c: {  	s7 =	sld [smem:$0x3FAE]  }
0x2d: {  	s3 =	simm.s32 $0x108;
	s8 =	sld [smem:$0x3FAF]  }
0x2e: {  	s3 =	simm.s32 @!p0 $0x1082;
	s9 =	sld [smem:$0x3FB0]  }
0x2f: {  	lr =	sadd.s32 s0, s3;
	s0 =	sld [smem:$0x3FA7]  }
0x30: {  	s3 =	sld [smem:$0x3FAA]  }
0x31: {  	[smem:$0x3FB3] =	sst s10  }
0x32: {  	s10 =	sld [smem:$0x3FB1];
	_ =	sdelay $0x3  }
0x33: {  	p0 =	seq.s32 s10, $0x1;
	s10 =	sld [smem:$0x3FB3];
	_ =	sdelay $0x3  }
0x34: {  	[smem:$0x3FB3] =	sst s10  }
0x35: {  	s10 =	sld [smem:$0x3FB2];
	_ =	sdelay $0x3  }
0x36: {  	p1 =	seq.s32 s10, $0x1;
	s10 =	sld [smem:$0x3FB3];
	_ =	sdelay $0x3  }
0x37: {  	[smem:$0x3FB3] =	sst s10  }
0x38: {  	s10 =	sld [smem:$0x3FB4]  }
0x39: {  	_ = 	snop;
	(pc) =	sbr.ind lr, $3  }
0x3a: {  	_ = 	snop  }
0x3b: {  	_ = 	snop  }
0x3c: {  	p2 =	seq.s32 s10, $0x1;
	s10 =	sld [smem:$0x3FB3]  }
0x3d: {  	_ =	shalt  }
0x3e: {  	_ =	shalt  }
0x3f: {  	_ =	shalt  }
0x40: {  	_ =	shalt  }
0x41: {  	_ =	shalt  }
0x42: {  	_ =	shalt  }
0x43: {  	_ =	shalt  }
0x44: {  	_ =	shalt  }
0x45: {  	_ =	shalt  }
0x46: {  	_ =	shalt  }
0x47: {  	_ =	shalt  }
0x48: {  	_ =	shalt  }
0x49: {  	_ =	shalt  }
0x4a: {  	_ =	shalt  }
0x4b: {  	_ =	shalt  }
0x4c: {  	_ =	shalt  }
0x4d: {  	_ =	shalt  }
0x4e: {  	_ =	shalt  }
0x4f: {  	_ =	shalt  }
0x50: {  	_ =	shalt  }
0x51: {  	_ =	shalt  }
0x52: {  	_ =	shalt  }
0x53: {  	_ =	shalt  }
0x54: {  	_ =	shalt  }
0x55: {  	_ =	shalt  }
0x56: {  	_ =	shalt  }
0x57: {  	_ =	shalt  }
0x58: {  	_ =	shalt  }
0x59: {  	_ =	shalt  }
0x5a: {  	_ =	shalt  }
0x5b: {  	_ =	shalt  }
0x5c: {  	_ =	shalt  }
0x5d: {  	_ =	shalt  }
0x5e: {  	_ =	shalt  }
0x5f: {  	_ =	shalt  }
0x60: {  	_ =	shalt  }
0x61: {  	_ =	shalt  }
0x62: {  	_ =	shalt  }
0x63: {  	_ =	shalt  }
0x64: {  	_ =	shalt  }
0x65: {  	_ =	shalt  }
0x66: {  	_ =	shalt  }
0x67: {  	_ =	shalt  }
0x68: {  	_ =	shalt  }
0x69: {  	_ =	shalt  }
0x6a: {  	_ =	shalt  }
0x6b: {  	_ =	shalt  }
0x6c: {  	_ =	shalt  }
0x6d: {  	_ =	shalt  }
0x6e: {  	_ =	shalt  }
0x6f: {  	_ =	shalt  }
0x70: {  	_ =	shalt  }
0x71: {  	_ =	shalt  }
0x72: {  	_ =	shalt  }
0x73: {  	_ =	shalt  }
0x74: {  	_ =	shalt  }
0x75: {  	_ =	shalt  }
0x76: {  	_ =	shalt  }
0x77: {  	_ =	shalt  }
0x78: {  	_ =	shalt  }
0x79: {  	_ =	shalt  }
0x7a: {  	_ =	shalt  }
0x7b: {  	_ =	shalt  }
0x7c: {  	_ =	shalt  }
0x7d: {  	_ =	shalt  }
0x7e: {  	_ =	shalt  }
0x7f: {  	_ =	shalt  }
0x80: {  	_ =	shalt  }
0x81: {  	_ =	shalt  }
0x82: {  	_ =	shalt  }
0x83: {  	_ =	shalt  }
0x84: {  	_ =	shalt  }
0x85: {  	_ =	shalt  }
0x86: {  	_ =	shalt  }
0x87: {  	_ =	shalt  }
.Lfunc_end0:
.L_simem_size_0:
called_computation_lowered:
.L_overlay_start_0:
0x88: {  	s2 =	sld [smem:$0x3FD9]  }
0x89: {  	s3 =	sld [smem:$0x3FFE];
	_ =	sdelay $0x1  }
0x8a: {  	s1 =	srdreg.scid  }
0x8b: {  	s0 =	sand.u32 $0x1, s1  }
0x8c: {  	s16 =	sshll.u32 s0, $0xA;
	s2 =	sadd.s32 s3, s2  }
0x8d: {  	s2 =	sadd.s32 s2, s16  }
0x8e: {  	[smem:$0x3FBF] =	sst s2  }
0x8f: {  	_ = 	snop  }
0x90: {  	(tm) =	ssettm $0x1  }
0x91: {  	s17 =	sld [smem:$0x3FFB];
	_ =	sdelay $0x3  }
0x92: {  	_ =	strace s17  }
0x93: {  	s2 =	sld [smem:$0x3FFC];
	_ =	sdelay $0x3  }
0x94: {  	_ =	strace s2  }
0x95: {  	s2 =	sld [smem:$0x3FFD];
	_ =	sdelay $0x3  }
0x96: {  	_ =	strace s2  }
0x97: {  	_ =	strace $0x8FFFFFFF  }
0x98: {  	s18 =	sld [smem:$0x3FDB];
	_ =	sdelay $0x1  }
0x99: {  	s19 =	simm.s32 $_scs_section_size  }
0x9a: {  	s4 =	simm.s32 $_size__tile_overlayer_lowered;
	s5 =	simm.s32 $_tile_overlayer_lowered  }
0x9b: {  	s22 =	simm.s32 $0x1BFF;
	s21 =	sshll.u32 s5, $0x1;
	s2 =	sadd.s32 s19, s18  }
0x9c: {  	s6 =	simm.s32 $0x0;
	s20 =	sshll.u32 s4, $0x1;
	s4 =	sadd.s32 s21, s2  }
0x9d: {  	[timem:s6], [sflag:s22] =	dma.local [hbm:s4], s20  }
0x9e: {  	_ =	swait.ge [sflag:s22], s20  }
0x9f: {  	s3 =	ssub.s32 $0x0, s20;
	[sflag:s22] =	ssyncset.done $0x0  }
0xa0: {  	[sflag:s22] =	ssyncadd.s32 s3;
	_ =	sdelay $0x1  }
0xa1: {  	s23 =	simm.s32 $0x1B8B  }
0xa2: {  	_ =	swait.ge [sflag:s23], $0x1  }
0xa3: {  	[sflag:s23] =	ssyncset.done $0x0  }
0xa4: {  	s25 =	simm.s32 $0x1B8E;
	s24 =	sld [smem:$0x3FFE];
	[sflag:s23] =	ssyncadd.s32 $0xFFFFFFFF  }
0xa5: {  	s26 =	simm.s32 $execute0_lowered;
	[smem:$0x3FD2] =	sst s25  }
0xa6: {  	s4 =	sshll.u32 s26, $0x1;
	_ =	strace $0x80000046;
	[dreg:$0x1] =	wrdreg $0xFFFFFFFF  }
0xa7: {  	s28 =	simm.s32 $_size_execute0_lowered;
	s2 =	sadd.s32 s2, s4;
	[dreg:$0x0] =	wrdreg $0x0  }
0xa8: {  	s4 =	sshll.u32 s28, $0x1;
	[dreg:$0x2] =	wrdreg s2  }
0xa9: {  	[dreg:$0x3] =	wrdreg s4  }
0xaa: {  	[dreg:$0x4] =	wrdreg $0xC0  }
0xab: {  	_ =	task [dreg:s6], $0x5FFFF  }
0xac: {  	[dreg:$0x1] =	wrdreg $0xFFFFFFFF  }
0xad: {  	[dreg:$0x0] =	wrdreg $0x60  }
0xae: {  	[dreg:$0x2] =	wrdreg s24  }
0xaf: {  	[dreg:$0x3] =	wrdreg $0x9  }
0xb0: {  	_ =	task.clear_ibuf [dreg:s6], $0x4FFFF;
	_ =	strace $0x90000046  }
0xb1: {  	s29 =	simm.s32 $0x9;
	_ =	strace $0x80000048  }
0xb2: {  	_ =	swait.ge [sflag:s29], $0x1  }
0xb3: {  	[sflag:s29] =	ssyncadd.s32 $0xFFFFFFFF  }
0xb4: {  	_ =	strace $0x90000048  }
0xb5: {  	_ =	sfence  }
0xb6: {  	s30 =	sld [smem:$0x0];
	_ =	sdelay $0x2  }
0xb7: {  	s31 =	sshll.u32 s1, $0xD;
	s1 =	sshrl.u32 s1, $0x2  }
0xb8: {  	s3 =	sand.u32 $0x4000, s31;
	s1 =	sadd.s32 s1, s30  }
0xb9: {  	s0 =	sor.u32 s3, s0;
	s1 =	sshll.u32 s1, $0x11  }
0xba: {  	s0 =	sor.u32 s1, s0  }
0xbb: {  	s0 =	sadd.s32 $0x8F2B, s0  }
0xbc: {  	[sflag:s0] =	ssyncadd.remote.s32 $0x1  }
0xbd: {  	_ =	sfence.sel $0xFFFF  }
0xbe: {  	[dreg:$0x0] =	wrdreg $0xFFFFFFFF;
	(pc) =	sbr.abs _section_cstart, $3  }
0xbf: {  	[dreg:$0x1] =	wrdreg $0xFFFFFFFF  }
0xc0: {  	_ =	task.clear_ibuf [dreg:s6], $0x2FFFF;
	_ =	strace $0x9FFFFFFF  }
0xc1: {  	(tm) =	ssettm $0x7FFFFFFF  }
tec
execute0_lowered:
.L_overlay_start_1:
0x0: {  	(tag) =	ssettag $0x1  }
0x1: {  	s0 =	srdreg.scid  }
0x2: {  	s2 =	sand.u32 $0x1, s0;
	s0 =	stileid.u32  }
0x3: {  	s4 =	sshll.u32 s0, $0x1;
	s5 =	ssub.s32 $0x0, s2  }
0x4: {  	p0 =	sne.s32 s4, s5  }
.Ltmp0:
0x5: {  	_ = 	snop;
	(pc) =	sbr.rel @p0 .LBB2_7-.Ltmp0, $3  }
0x6: {  	_ =	sdelay $0x1  }
0x7: {  	s3 =	rddreg [dreg:$0x0]  }
0x8: {  	s1 =	rddreg [dreg:$0x1];
	_ =	strace $0x80000047  }
0x9: {  	s4 =	ssub.s32 $0x2, s2  }
0xa: {  	s2 =	sadd.s32 $0x3000, s3;
	s3 =	sadd.s32 $0x3200, s3;
	s5 =	sshrl.u32 s4, $0x1  }
0xb: {  	s6 =	simm.s32 $0x1;
	s7 =	simm.s32 $0x1000;
	s4 =	ssub.s32 s4, s5  }
0xc: {  	v0 =	vlaneseq.u32;
	s8 =	simm.s32 $0x0;
	s5 =	simm.s32 $0x0;
	s4 =	smax.u32 s4, $0x1  }
.LBB2_2:
0xd: {  	[tilespmem:s5], [sflag:$0x1] =	stream.linear.gather [hbm4b:s2+s5], $0x1000, $0x38;
	[tilespmem:$0x2800] =	vst v63  }
0xe: {  	_ =	swait.ge [sflag:s6], $0x1000  }
0xf: {  	[sflag:s6] =	ssyncset.done $0x0  }
0x10: {  	s9 =	simm.s32 $0x1000;
	s10 =	simm.s32 $0x0;
	[sflag:s6] =	ssyncadd.s32 $0xFFFFF000  }
.LBB2_3:
0x11: {  	p0 =	sne.s32 s10, $0x17F0  }
.Ltmp1:
0x12: {  	_ = 	snop;
	(pc) =	sbr.rel @p0 .LBB2_3-.Ltmp1, $4  }
0x13: {  	_ = 	snop  }
0x14: {  	v1 =	vor.u32 s10, v0  }
0x15: {  	v1 =	vand.u32 $0x7FF, v1  }
0x16: {  	s10 =	sadd.s32 $0x10, s10;
	[tilespmem:s9+$0x0] =	vst v1;
	s9 =	sadd.s32 $0x10, s9  }
0x17: {  	s9 =	simm.s32 $0x0  }
0x18: {  	s10 =	simm.s32 $0x10;
	s11 =	simm.s32 $0x0;
	v1 =	vld [tilespmem:s9+$0x0]  }
.LBB2_5:
0x19: {  	p0 =	sne.s32 s10, $0xFF0;
	_ =	sdelay $0x3  }
.Ltmp2:
0x1a: {  	(pc) =	sbr.rel @p0 .LBB2_5-.Ltmp2, $4  }
0x1b: {  	v2 =	vor.u32 s9, v0;
	s9 =	smov.u32 s10  }
0x1c: {  	v2 =	vand.u32 $0x7FF, v2  }
0x1d: {  	s11 =	sadd.s32 $0x10, s11;
	[tilespmem:v1+s7+$0x0] =	vst.idx.msk $0xffff, v2  }
0x1e: {  	s10 =	sadd.s32 $0x10, s10;
	v1 =	vld [tilespmem:s11+$0x0]  }
0x1f: {  	_ =	sdelay $0x5  }
0x20: {  	v2 =	vor.u32 s9, v0;
	s8 =	sadd.s32 $0x1, s8  }
0x21: {  	v2 =	vand.u32 $0x7FF, v2;
	p0 =	sne.s32 s8, s4  }
.Ltmp3:
0x22: {  	[tilespmem:v1+s7+$0x0] =	vst.idx.msk $0xffff, v2;
	(pc) =	sbr.rel @p0 .LBB2_2-.Ltmp3, $4  }
0x23: {  	[hbm4b:s3+s5] =	stream.linear.scatter [tilespmem:s7], [sflag:$0x1], $0x1800, $0x38;
	[tilespmem:$0x2800] =	vst v63  }
0x24: {  	_ =	swait.ge [sflag:s6], $0x1800  }
0x25: {  	[sflag:s6] =	ssyncset.done $0x0  }
0x26: {  	[sflag:s6] =	ssyncadd.s32 $0xFFFFE800  }
.LBB2_7:
0x27: {  	_ =	sfence.sel $0x180000  }
0x28: {  	[bflag:$0x0] =	sbarrier.arrive $0xFFFF  }
0x29: {  	p0 =	sne.s32 s0, $0x0;
	_ =	strace $0x90000047  }
0x2a: {  	s0 =	sadd.s32 @!p0 $0x100000, s1;
	[bflag:$0x2] =	sbarrier.arrive $0xFFFF  }
0x2b: {  	[sflag:s0] =	ssyncadd.tile.s32 @!p0 $0x1;
	_ =	shalt  }
.Lfunc_end2:
_tile_overlayer_lowered:
.L_overlay_start_2:
0x2c: {  	(tag) =	ssettag $0x2  }
0x2d: {  	s0 =	rddreg [dreg:$0x0];
	s2 =	stileid.u32  }
0x2e: {  	s1 =	rddreg [dreg:$0x1];
	p0 =	sne.s32 s2, $0x0  }
0x2f: {  	s3 =	rddreg [dreg:$0x2];
	[bflag:$0x3] =	sbarrier.arrive $0xFFFF;
	s2 =	simm.s32 @!p0 $0x1C01  }
0x30: {  	[timem:s3], [sflag:s2] =	dma.local @!p0 [hbm:s0], s1  }
0x31: {  	s0 =	simm.s32 @!p0 $0x1  }
0x32: {  	_ =	swait.ge @!p0 [sflag:s0], s1  }
0x33: {  	s1 =	ssub.s32 @!p0 $0x0, s1;
	[sflag:s0] =	ssyncset.done @!p0 $0x0  }
0x34: {  	[sflag:s0] =	ssyncadd.s32 @!p0 s1  }
0x35: {  	[bflag:$0x3] =	sbarrier.arrive $0xFFFF  }
0x36: {  	_ =	shalt  }

</sc_bundles>
